<compile_context>
chip_gen: v7x
topology: tpu7x:2x2x1
jax: 0.10.2.dev20260603
libtpu: 0.0.44.dev20260713+nightly
codegen_flags: <defaults>
</compile_context>

<pallas_src>
import jax
import jax.numpy as jnp
from jax import lax
from jax.experimental import pallas as pl
from jax.experimental.pallas import tpu as pltpu
from jax.experimental.pallas import tpu_sc as plsc

_B, _S, _D = 16384, 50, 128
_SP = 56
_NC, _NS = 2, 16
_NW = _NC * _NS
_BPC = 2
_PER_W = _B // _NW
_NCH = _PER_W // _BPC
_NBUF = 4
_W = _NBUF // 2


def _emb_body(ids_hbm, table_hbm, out_hbm, idx_v, *rest):
    bufs = rest[:_NBUF]
    gsems = rest[_NBUF:2 * _NBUF]
    wsems = rest[2 * _NBUF:]
    wid = lax.axis_index("s") * _NC + lax.axis_index("c")
    bat0 = wid * _PER_W

    pltpu.sync_copy(ids_hbm.at[wid], idx_v)

    def start_gather(j, k):
        for t in range(_BPC):
            pltpu.async_copy(table_hbm.at[idx_v.at[j, t, pl.ds(0, _S)]],
                             bufs[k].at[t], gsems[k])

    def wait_gather(j, k):
        pltpu.make_async_copy(out_hbm.at[pl.ds(0, _BPC)], bufs[k],
                              gsems[k]).wait()

    def start_write(j, k):
        pltpu.async_copy(bufs[k],
                         out_hbm.at[pl.ds(bat0 + _BPC * j, _BPC)], wsems[k])

    def wait_write(j, k):
        pltpu.make_async_copy(bufs[k],
                              out_hbm.at[pl.ds(bat0 + _BPC * j, _BPC)],
                              wsems[k]).wait()

    def step(j, k, prefetch, wait_w):
        wait_gather(j, k)
        start_write(j, k)
        if prefetch:
            k2 = (k + _W) % _NBUF
            if wait_w:
                wait_write(j + _W - _NBUF, k2)
            start_gather(j + _W, k2)

    for j in range(_W):
        start_gather(j, j % _NBUF)

    head_end = _NBUF - _W
    for j in range(head_end):
        step(j, j % _NBUF, prefetch=True, wait_w=False)

    n_steady = _NCH - _W - head_end
    n_groups = n_steady // _NBUF

    def body(i, carry):
        j0 = _NBUF * i + head_end
        for r in range(_NBUF):
            step(j0 + r, (head_end + r) % _NBUF, prefetch=True, wait_w=True)
        return carry

    lax.fori_loop(0, n_groups, body, 0)

    for j in range(head_end + n_groups * _NBUF, _NCH - _W):
        step(j, j % _NBUF, prefetch=True, wait_w=True)

    for j in range(_NCH - _W, _NCH):
        step(j, j % _NBUF, prefetch=False, wait_w=False)

    for j in range(_NCH - _NBUF, _NCH):
        wait_write(j, j % _NBUF)


@jax.jit
def kernel(token_ids, weight):
    ids = token_ids.astype(jnp.int32)
    ids = jnp.pad(ids, ((0, 0), (0, _SP - _S)), mode="edge")
    ids = ids.reshape(_NW, _NCH, _BPC, _SP)
    mesh = plsc.VectorSubcoreMesh(core_axis_name="c", subcore_axis_name="s")
    out = pl.kernel(
        _emb_body,
        mesh=mesh,
        out_type=jax.ShapeDtypeStruct((_B, _S, _D), jnp.float32),
        scratch_types=(
            [pltpu.VMEM((_NCH, _BPC, _SP), jnp.int32)]
            + [pltpu.VMEM((_BPC, _S, _D), jnp.float32)] * _NBUF
            + [pltpu.SemaphoreType.DMA] * (2 * _NBUF)
        ),
    )(ids, weight)
    return out

# --- scband reference (transcript-rebuilt; emitter-appended) ---
"""Pipeline reference for scband-embedding-6090263626357 (READ-ONLY COPY).

The authoritative reference and input builder live on the scoring server;
editing this copy changes nothing except your own understanding.
"""

import jax, jax.numpy as jnp
import numpy as np

NUM_EMBEDDINGS = 100000
EMBEDDING_DIM = 128

def setup_inputs(seed: int = 0) -> dict:
    key = jax.random.key(seed)
    k_idx, k_w = jax.random.split(key)
    token_ids = jax.random.randint(k_idx, (16384, 50), 0, NUM_EMBEDDINGS, dtype=jnp.int64 if jax.config.jax_enable_x64 else jnp.int32)
    # trunc_normal_(mean=0, std=1, a=-3, b=3)
    weight = jax.random.truncated_normal(k_w, -3.0, 3.0, (NUM_EMBEDDINGS, EMBEDDING_DIM), dtype=jnp.float32)
    return {"token_ids": token_ids, "weight": weight}

def reference(token_ids, weight):
    # forward: self.weight[token_ids]
    return jnp.take(weight, token_ids, axis=0)

if __name__ == "__main__":
    import jax
    _d = setup_inputs()
    print(jax.jit(kernel)(*tuple(_d.values())))

</pallas_src>

<mosaic_0001>
#map = affine_map<(d0, d1) -> (0, 0, 0, 0)>
#map1 = affine_map<(d0, d1) -> (0, 0)>
#map2 = affine_map<(d0, d1) -> (0, 0, 0)>
module attributes {stable_mosaic.version = 14 : i64} {
  func.func @_emb_body(%arg0: i32, %arg1: i32, %arg2: memref<32x256x2x56xi32, #tpu.memory_space<hbm>>, %arg3: memref<100000x128xf32, #tpu.memory_space<hbm>>, %arg4: memref<16384x50x128xf32, #tpu.memory_space<hbm>>, %arg5: memref<256x2x56xi32, #tpu.memory_space<vmem>>, %arg6: memref<2x50x128xf32, #tpu.memory_space<vmem>>, %arg7: memref<2x50x128xf32, #tpu.memory_space<vmem>>, %arg8: memref<2x50x128xf32, #tpu.memory_space<vmem>>, %arg9: memref<2x50x128xf32, #tpu.memory_space<vmem>>, %arg10: memref<!tpu.dma_semaphore, #tpu.memory_space<semaphore_mem>>, %arg11: memref<!tpu.dma_semaphore, #tpu.memory_space<semaphore_mem>>, %arg12: memref<!tpu.dma_semaphore, #tpu.memory_space<semaphore_mem>>, %arg13: memref<!tpu.dma_semaphore, #tpu.memory_space<semaphore_mem>>, %arg14: memref<!tpu.dma_semaphore, #tpu.memory_space<semaphore_mem>>, %arg15: memref<!tpu.dma_semaphore, #tpu.memory_space<semaphore_mem>>, %arg16: memref<!tpu.dma_semaphore, #tpu.memory_space<semaphore_mem>>, %arg17: memref<!tpu.dma_semaphore, #tpu.memory_space<semaphore_mem>>) attributes {dimension_semantics = [#tpu.dimension_semantics<core_parallel>, #tpu.dimension_semantics<subcore_parallel>], iteration_bounds = array<i64: 2, 16>, scalar_prefetch = 0 : i64, scratch_operands = 13 : i64, tpu.core_type = #tpu.core_type<sc_vector_subcore>, window_params = [{transform_indices = #map}, {transform_indices = #map1}, {transform_indices = #map2}]} {
    %mul3A = arith.constant 2 : i32
    %mul3A_0 = arith.muli %arg1, %mul3A : i32
    %add3A = arith.addi %mul3A_0, %arg0 : i32
    %mul3A_1 = arith.constant 512 : i32
    %mul3A_2 = arith.muli %add3A, %mul3A_1 : i32
    "tpu.region"() ({
      %run_scoped3A = tpu.sem_alloc : memref<!tpu.dma_semaphore, #tpu.memory_space<semaphore_mem>>
      %dma_start3A_206 = arith.constant 0 : i32
      %dma_start3A_207 = arith.constant 0 : i32
      %dma_start3A_208 = arith.constant 0 : i32
      %dma_start3A_209 = tpu.memref_slice %arg2[%add3A, %dma_start3A_206, %dma_start3A_207, %dma_start3A_208] : memref<32x256x2x56xi32, #tpu.memory_space<hbm>> -> memref<1x256x2x56xi32, #tpu.memory_space<hbm>>
      %dma_start3A_210 = tpu.memref_squeeze %dma_start3A_209 : memref<1x256x2x56xi32, #tpu.memory_space<hbm>> -> memref<256x2x56xi32, #tpu.memory_space<hbm>>
      %dma_start3A_211 = arith.constant 0 : i32
      %dma_start3A_212 = arith.constant 0 : i32
      %dma_start3A_213 = arith.constant 0 : i32
      %dma_start3A_214 = tpu.memref_slice %arg2[%add3A, %dma_start3A_211, %dma_start3A_212, %dma_start3A_213] : memref<32x256x2x56xi32, #tpu.memory_space<hbm>> -> memref<1x256x2x56xi32, #tpu.memory_space<hbm>>
      %dma_start3A_215 = tpu.memref_squeeze %dma_start3A_214 : memref<1x256x2x56xi32, #tpu.memory_space<hbm>> -> memref<256x2x56xi32, #tpu.memory_space<hbm>>
      tpu.enqueue_dma source(%dma_start3A_215 : memref<256x2x56xi32, #tpu.memory_space<hbm>>) target(%arg5 : memref<256x2x56xi32, #tpu.memory_space<vmem>>) target_semaphore(%run_scoped3A : memref<!tpu.dma_semaphore, #tpu.memory_space<semaphore_mem>>)
      %dma_wait3A_216 = arith.constant 0 : i32
      %dma_wait3A_217 = arith.constant 0 : i32
      %dma_wait3A_218 = arith.constant 0 : i32
      %dma_wait3A_219 = tpu.memref_slice %arg2[%add3A, %dma_wait3A_216, %dma_wait3A_217, %dma_wait3A_218] : memref<32x256x2x56xi32, #tpu.memory_space<hbm>> -> memref<1x256x2x56xi32, #tpu.memory_space<hbm>>
      %dma_wait3A_220 = tpu.memref_squeeze %dma_wait3A_219 : memref<1x256x2x56xi32, #tpu.memory_space<hbm>> -> memref<256x2x56xi32, #tpu.memory_space<hbm>>
      %dma_wait3A_221 = arith.constant 0 : i32
      %dma_wait3A_222 = arith.constant 0 : i32
      %dma_wait3A_223 = arith.constant 0 : i32
      %dma_wait3A_224 = tpu.memref_slice %arg2[%add3A, %dma_wait3A_221, %dma_wait3A_222, %dma_wait3A_223] : memref<32x256x2x56xi32, #tpu.memory_space<hbm>> -> memref<1x256x2x56xi32, #tpu.memory_space<hbm>>
      %dma_wait3A_225 = tpu.memref_squeeze %dma_wait3A_224 : memref<1x256x2x56xi32, #tpu.memory_space<hbm>> -> memref<256x2x56xi32, #tpu.memory_space<hbm>>
      tpu.wait_dma2 semaphore(%run_scoped3A : memref<!tpu.dma_semaphore, #tpu.memory_space<semaphore_mem>>) src(%dma_wait3A_225 : memref<256x2x56xi32, #tpu.memory_space<hbm>>) dst(%arg5 : memref<256x2x56xi32, #tpu.memory_space<vmem>>)
      tpu.yield
    }) : () -> ()
    %dma_start3A = arith.constant 0 : i32
    %dma_start3A_3 = arith.constant 0 : i32
    %dma_start3A_4 = arith.constant 0 : i32
    %dma_start3A_5 = arith.constant 0 : i32
    %dma_start3A_6 = arith.constant 0 : i32
    %dma_start3A_7 = tpu.memref_slice %arg6[%dma_start3A_4, %dma_start3A_5, %dma_start3A_6] : memref<2x50x128xf32, #tpu.memory_space<vmem>> -> memref<1x50x128xf32, #tpu.memory_space<vmem>>
    %dma_start3A_8 = tpu.memref_squeeze %dma_start3A_7 : memref<1x50x128xf32, #tpu.memory_space<vmem>> -> memref<50x128xf32, #tpu.memory_space<vmem>>
    %dma_start3A_9 = arith.constant 0 : i32
    %dma_start3A_10 = tpu.memref_slice %arg5[%dma_start3A, %dma_start3A_3, %dma_start3A_9] : memref<256x2x56xi32, #tpu.memory_space<vmem>> -> memref<1x1x50xi32, #tpu.memory_space<vmem>>
    %dma_start3A_11 = tpu.memref_squeeze %dma_start3A_10 : memref<1x1x50xi32, #tpu.memory_space<vmem>> -> memref<50xi32, #tpu.memory_space<vmem>>
    %dma_start3A_12 = arith.constant 0 : i32
    %dma_start3A_13 = arith.constant 0 : i32
    %dma_start3A_14 = tpu.memref_slice %arg3[%dma_start3A_12, %dma_start3A_13] : memref<100000x128xf32, #tpu.memory_space<hbm>> -> memref<100000x128xf32, #tpu.memory_space<hbm>>
    tpu.enqueue_indirect_dma source(%dma_start3A_14 : memref<100000x128xf32, #tpu.memory_space<hbm>>) target(%dma_start3A_8 : memref<50x128xf32, #tpu.memory_space<vmem>>) offsets(%dma_start3A_11 : memref<50xi32, #tpu.memory_space<vmem>>) semaphore(%arg10 : memref<!tpu.dma_semaphore, #tpu.memory_space<semaphore_mem>>)
    %dma_start3A_15 = arith.constant 0 : i32
    %dma_start3A_16 = arith.constant 1 : i32
    %dma_start3A_17 = arith.constant 1 : i32
    %dma_start3A_18 = arith.constant 0 : i32
    %dma_start3A_19 = arith.constant 0 : i32
    %dma_start3A_20 = tpu.memref_slice %arg6[%dma_start3A_17, %dma_start3A_18, %dma_start3A_19] : memref<2x50x128xf32, #tpu.memory_space<vmem>> -> memref<1x50x128xf32, #tpu.memory_space<vmem>>
    %dma_start3A_21 = tpu.memref_squeeze %dma_start3A_20 : memref<1x50x128xf32, #tpu.memory_space<vmem>> -> memref<50x128xf32, #tpu.memory_space<vmem>>
    %dma_start3A_22 = arith.constant 0 : i32
    %dma_start3A_23 = tpu.memref_slice %arg5[%dma_start3A_15, %dma_start3A_16, %dma_start3A_22] : memref<256x2x56xi32, #tpu.memory_space<vmem>> -> memref<1x1x50xi32, #tpu.memory_space<vmem>>
    %dma_start3A_24 = tpu.memref_squeeze %dma_start3A_23 : memref<1x1x50xi32, #tpu.memory_space<vmem>> -> memref<50xi32, #tpu.memory_space<vmem>>
    %dma_start3A_25 = arith.constant 0 : i32
    %dma_start3A_26 = arith.constant 0 : i32
    %dma_start3A_27 = tpu.memref_slice %arg3[%dma_start3A_25, %dma_start3A_26] : memref<100000x128xf32, #tpu.memory_space<hbm>> -> memref<100000x128xf32, #tpu.memory_space<hbm>>
    tpu.enqueue_indirect_dma source(%dma_start3A_27 : memref<100000x128xf32, #tpu.memory_space<hbm>>) target(%dma_start3A_21 : memref<50x128xf32, #tpu.memory_space<vmem>>) offsets(%dma_start3A_24 : memref<50xi32, #tpu.memory_space<vmem>>) semaphore(%arg10 : memref<!tpu.dma_semaphore, #tpu.memory_space<semaphore_mem>>)
    %dma_start3A_28 = arith.constant 1 : i32
    %dma_start3A_29 = arith.constant 0 : i32
    %dma_start3A_30 = arith.constant 0 : i32
    %dma_start3A_31 = arith.constant 0 : i32
    %dma_start3A_32 = arith.constant 0 : i32
    %dma_start3A_33 = tpu.memref_slice %arg7[%dma_start3A_30, %dma_start3A_31, %dma_start3A_32] : memref<2x50x128xf32, #tpu.memory_space<vmem>> -> memref<1x50x128xf32, #tpu.memory_space<vmem>>
    %dma_start3A_34 = tpu.memref_squeeze %dma_start3A_33 : memref<1x50x128xf32, #tpu.memory_space<vmem>> -> memref<50x128xf32, #tpu.memory_space<vmem>>
    %dma_start3A_35 = arith.constant 0 : i32
    %dma_start3A_36 = tpu.memref_slice %arg5[%dma_start3A_28, %dma_start3A_29, %dma_start3A_35] : memref<256x2x56xi32, #tpu.memory_space<vmem>> -> memref<1x1x50xi32, #tpu.memory_space<vmem>>
    %dma_start3A_37 = tpu.memref_squeeze %dma_start3A_36 : memref<1x1x50xi32, #tpu.memory_space<vmem>> -> memref<50xi32, #tpu.memory_space<vmem>>
    %dma_start3A_38 = arith.constant 0 : i32
    %dma_start3A_39 = arith.constant 0 : i32
    %dma_start3A_40 = tpu.memref_slice %arg3[%dma_start3A_38, %dma_start3A_39] : memref<100000x128xf32, #tpu.memory_space<hbm>> -> memref<100000x128xf32, #tpu.memory_space<hbm>>
    tpu.enqueue_indirect_dma source(%dma_start3A_40 : memref<100000x128xf32, #tpu.memory_space<hbm>>) target(%dma_start3A_34 : memref<50x128xf32, #tpu.memory_space<vmem>>) offsets(%dma_start3A_37 : memref<50xi32, #tpu.memory_space<vmem>>) semaphore(%arg11 : memref<!tpu.dma_semaphore, #tpu.memory_space<semaphore_mem>>)
    %dma_start3A_41 = arith.constant 1 : i32
    %dma_start3A_42 = arith.constant 1 : i32
    %dma_start3A_43 = arith.constant 1 : i32
    %dma_start3A_44 = arith.constant 0 : i32
    %dma_start3A_45 = arith.constant 0 : i32
    %dma_start3A_46 = tpu.memref_slice %arg7[%dma_start3A_43, %dma_start3A_44, %dma_start3A_45] : memref<2x50x128xf32, #tpu.memory_space<vmem>> -> memref<1x50x128xf32, #tpu.memory_space<vmem>>
    %dma_start3A_47 = tpu.memref_squeeze %dma_start3A_46 : memref<1x50x128xf32, #tpu.memory_space<vmem>> -> memref<50x128xf32, #tpu.memory_space<vmem>>
    %dma_start3A_48 = arith.constant 0 : i32
    %dma_start3A_49 = tpu.memref_slice %arg5[%dma_start3A_41, %dma_start3A_42, %dma_start3A_48] : memref<256x2x56xi32, #tpu.memory_space<vmem>> -> memref<1x1x50xi32, #tpu.memory_space<vmem>>
    %dma_start3A_50 = tpu.memref_squeeze %dma_start3A_49 : memref<1x1x50xi32, #tpu.memory_space<vmem>> -> memref<50xi32, #tpu.memory_space<vmem>>
    %dma_start3A_51 = arith.constant 0 : i32
    %dma_start3A_52 = arith.constant 0 : i32
    %dma_start3A_53 = tpu.memref_slice %arg3[%dma_start3A_51, %dma_start3A_52] : memref<100000x128xf32, #tpu.memory_space<hbm>> -> memref<100000x128xf32, #tpu.memory_space<hbm>>
    tpu.enqueue_indirect_dma source(%dma_start3A_53 : memref<100000x128xf32, #tpu.memory_space<hbm>>) target(%dma_start3A_47 : memref<50x128xf32, #tpu.memory_space<vmem>>) offsets(%dma_start3A_50 : memref<50xi32, #tpu.memory_space<vmem>>) semaphore(%arg11 : memref<!tpu.dma_semaphore, #tpu.memory_space<semaphore_mem>>)
    %dma_wait3A = arith.constant 0 : i32
    %dma_wait3A_54 = arith.constant 0 : i32
    %dma_wait3A_55 = arith.constant 0 : i32
    %dma_wait3A_56 = tpu.memref_slice %arg4[%dma_wait3A, %dma_wait3A_54, %dma_wait3A_55] : memref<16384x50x128xf32, #tpu.memory_space<hbm>> -> memref<2x50x128xf32, #tpu.memory_space<hbm>>
    %dma_wait3A_57 = arith.constant 0 : i32
    %dma_wait3A_58 = arith.constant 0 : i32
    %dma_wait3A_59 = arith.constant 0 : i32
    %dma_wait3A_60 = tpu.memref_slice %arg4[%dma_wait3A_57, %dma_wait3A_58, %dma_wait3A_59] : memref<16384x50x128xf32, #tpu.memory_space<hbm>> -> memref<2x50x128xf32, #tpu.memory_space<hbm>>
    tpu.wait_dma2 semaphore(%arg10 : memref<!tpu.dma_semaphore, #tpu.memory_space<semaphore_mem>>) src(%dma_wait3A_60 : memref<2x50x128xf32, #tpu.memory_space<hbm>>) dst(%arg6 : memref<2x50x128xf32, #tpu.memory_space<vmem>>)
    %add3A_61 = arith.constant 0 : i32
    %add3A_62 = arith.addi %mul3A_2, %add3A_61 : i32
    %dma_start3A_63 = arith.constant 0 : i32
    %dma_start3A_64 = arith.constant 0 : i32
    %dma_start3A_65 = tpu.memref_slice %arg4[%add3A_62, %dma_start3A_63, %dma_start3A_64] : memref<16384x50x128xf32, #tpu.memory_space<hbm>> -> memref<2x50x128xf32, #tpu.memory_space<hbm>>
    %dma_start3A_66 = arith.constant 0 : i32
    %dma_start3A_67 = arith.constant 0 : i32
    %dma_start3A_68 = tpu.memref_slice %arg4[%add3A_62, %dma_start3A_66, %dma_start3A_67] : memref<16384x50x128xf32, #tpu.memory_space<hbm>> -> memref<2x50x128xf32, #tpu.memory_space<hbm>>
    tpu.enqueue_dma source(%arg6 : memref<2x50x128xf32, #tpu.memory_space<vmem>>) target(%dma_start3A_68 : memref<2x50x128xf32, #tpu.memory_space<hbm>>) target_semaphore(%arg14 : memref<!tpu.dma_semaphore, #tpu.memory_space<semaphore_mem>>)
    %dma_start3A_69 = arith.constant 2 : i32
    %dma_start3A_70 = arith.constant 0 : i32
    %dma_start3A_71 = arith.constant 0 : i32
    %dma_start3A_72 = arith.constant 0 : i32
    %dma_start3A_73 = arith.constant 0 : i32
    %dma_start3A_74 = tpu.memref_slice %arg8[%dma_start3A_71, %dma_start3A_72, %dma_start3A_73] : memref<2x50x128xf32, #tpu.memory_space<vmem>> -> memref<1x50x128xf32, #tpu.memory_space<vmem>>
    %dma_start3A_75 = tpu.memref_squeeze %dma_start3A_74 : memref<1x50x128xf32, #tpu.memory_space<vmem>> -> memref<50x128xf32, #tpu.memory_space<vmem>>
    %dma_start3A_76 = arith.constant 0 : i32
    %dma_start3A_77 = tpu.memref_slice %arg5[%dma_start3A_69, %dma_start3A_70, %dma_start3A_76] : memref<256x2x56xi32, #tpu.memory_space<vmem>> -> memref<1x1x50xi32, #tpu.memory_space<vmem>>
    %dma_start3A_78 = tpu.memref_squeeze %dma_start3A_77 : memref<1x1x50xi32, #tpu.memory_space<vmem>> -> memref<50xi32, #tpu.memory_space<vmem>>
    %dma_start3A_79 = arith.constant 0 : i32
    %dma_start3A_80 = arith.constant 0 : i32
    %dma_start3A_81 = tpu.memref_slice %arg3[%dma_start3A_79, %dma_start3A_80] : memref<100000x128xf32, #tpu.memory_space<hbm>> -> memref<100000x128xf32, #tpu.memory_space<hbm>>
    tpu.enqueue_indirect_dma source(%dma_start3A_81 : memref<100000x128xf32, #tpu.memory_space<hbm>>) target(%dma_start3A_75 : memref<50x128xf32, #tpu.memory_space<vmem>>) offsets(%dma_start3A_78 : memref<50xi32, #tpu.memory_space<vmem>>) semaphore(%arg12 : memref<!tpu.dma_semaphore, #tpu.memory_space<semaphore_mem>>)
    %dma_start3A_82 = arith.constant 2 : i32
    %dma_start3A_83 = arith.constant 1 : i32
    %dma_start3A_84 = arith.constant 1 : i32
    %dma_start3A_85 = arith.constant 0 : i32
    %dma_start3A_86 = arith.constant 0 : i32
    %dma_start3A_87 = tpu.memref_slice %arg8[%dma_start3A_84, %dma_start3A_85, %dma_start3A_86] : memref<2x50x128xf32, #tpu.memory_space<vmem>> -> memref<1x50x128xf32, #tpu.memory_space<vmem>>
    %dma_start3A_88 = tpu.memref_squeeze %dma_start3A_87 : memref<1x50x128xf32, #tpu.memory_space<vmem>> -> memref<50x128xf32, #tpu.memory_space<vmem>>
    %dma_start3A_89 = arith.constant 0 : i32
    %dma_start3A_90 = tpu.memref_slice %arg5[%dma_start3A_82, %dma_start3A_83, %dma_start3A_89] : memref<256x2x56xi32, #tpu.memory_space<vmem>> -> memref<1x1x50xi32, #tpu.memory_space<vmem>>
    %dma_start3A_91 = tpu.memref_squeeze %dma_start3A_90 : memref<1x1x50xi32, #tpu.memory_space<vmem>> -> memref<50xi32, #tpu.memory_space<vmem>>
    %dma_start3A_92 = arith.constant 0 : i32
    %dma_start3A_93 = arith.constant 0 : i32
    %dma_start3A_94 = tpu.memref_slice %arg3[%dma_start3A_92, %dma_start3A_93] : memref<100000x128xf32, #tpu.memory_space<hbm>> -> memref<100000x128xf32, #tpu.memory_space<hbm>>
    tpu.enqueue_indirect_dma source(%dma_start3A_94 : memref<100000x128xf32, #tpu.memory_space<hbm>>) target(%dma_start3A_88 : memref<50x128xf32, #tpu.memory_space<vmem>>) offsets(%dma_start3A_91 : memref<50xi32, #tpu.memory_space<vmem>>) semaphore(%arg12 : memref<!tpu.dma_semaphore, #tpu.memory_space<semaphore_mem>>)
    %dma_wait3A_95 = arith.constant 0 : i32
    %dma_wait3A_96 = arith.constant 0 : i32
    %dma_wait3A_97 = arith.constant 0 : i32
    %dma_wait3A_98 = tpu.memref_slice %arg4[%dma_wait3A_95, %dma_wait3A_96, %dma_wait3A_97] : memref<16384x50x128xf32, #tpu.memory_space<hbm>> -> memref<2x50x128xf32, #tpu.memory_space<hbm>>
    %dma_wait3A_99 = arith.constant 0 : i32
    %dma_wait3A_100 = arith.constant 0 : i32
    %dma_wait3A_101 = arith.constant 0 : i32
    %dma_wait3A_102 = tpu.memref_slice %arg4[%dma_wait3A_99, %dma_wait3A_100, %dma_wait3A_101] : memref<16384x50x128xf32, #tpu.memory_space<hbm>> -> memref<2x50x128xf32, #tpu.memory_space<hbm>>
    tpu.wait_dma2 semaphore(%arg11 : memref<!tpu.dma_semaphore, #tpu.memory_space<semaphore_mem>>) src(%dma_wait3A_102 : memref<2x50x128xf32, #tpu.memory_space<hbm>>) dst(%arg7 : memref<2x50x128xf32, #tpu.memory_space<vmem>>)
    %add3A_103 = arith.constant 2 : i32
    %add3A_104 = arith.addi %mul3A_2, %add3A_103 : i32
    %dma_start3A_105 = arith.constant 0 : i32
    %dma_start3A_106 = arith.constant 0 : i32
    %dma_start3A_107 = tpu.memref_slice %arg4[%add3A_104, %dma_start3A_105, %dma_start3A_106] : memref<16384x50x128xf32, #tpu.memory_space<hbm>> -> memref<2x50x128xf32, #tpu.memory_space<hbm>>
    %dma_start3A_108 = arith.constant 0 : i32
    %dma_start3A_109 = arith.constant 0 : i32
    %dma_start3A_110 = tpu.memref_slice %arg4[%add3A_104, %dma_start3A_108, %dma_start3A_109] : memref<16384x50x128xf32, #tpu.memory_space<hbm>> -> memref<2x50x128xf32, #tpu.memory_space<hbm>>
    tpu.enqueue_dma source(%arg7 : memref<2x50x128xf32, #tpu.memory_space<vmem>>) target(%dma_start3A_110 : memref<2x50x128xf32, #tpu.memory_space<hbm>>) target_semaphore(%arg15 : memref<!tpu.dma_semaphore, #tpu.memory_space<semaphore_mem>>)
    %dma_start3A_111 = arith.constant 3 : i32
    %dma_start3A_112 = arith.constant 0 : i32
    %dma_start3A_113 = arith.constant 0 : i32
    %dma_start3A_114 = arith.constant 0 : i32
    %dma_start3A_115 = arith.constant 0 : i32
    %dma_start3A_116 = tpu.memref_slice %arg9[%dma_start3A_113, %dma_start3A_114, %dma_start3A_115] : memref<2x50x128xf32, #tpu.memory_space<vmem>> -> memref<1x50x128xf32, #tpu.memory_space<vmem>>
    %dma_start3A_117 = tpu.memref_squeeze %dma_start3A_116 : memref<1x50x128xf32, #tpu.memory_space<vmem>> -> memref<50x128xf32, #tpu.memory_space<vmem>>
    %dma_start3A_118 = arith.constant 0 : i32
    %dma_start3A_119 = tpu.memref_slice %arg5[%dma_start3A_111, %dma_start3A_112, %dma_start3A_118] : memref<256x2x56xi32, #tpu.memory_space<vmem>> -> memref<1x1x50xi32, #tpu.memory_space<vmem>>
    %dma_start3A_120 = tpu.memref_squeeze %dma_start3A_119 : memref<1x1x50xi32, #tpu.memory_space<vmem>> -> memref<50xi32, #tpu.memory_space<vmem>>
    %dma_start3A_121 = arith.constant 0 : i32
    %dma_start3A_122 = arith.constant 0 : i32
    %dma_start3A_123 = tpu.memref_slice %arg3[%dma_start3A_121, %dma_start3A_122] : memref<100000x128xf32, #tpu.memory_space<hbm>> -> memref<100000x128xf32, #tpu.memory_space<hbm>>
    tpu.enqueue_indirect_dma source(%dma_start3A_123 : memref<100000x128xf32, #tpu.memory_space<hbm>>) target(%dma_start3A_117 : memref<50x128xf32, #tpu.memory_space<vmem>>) offsets(%dma_start3A_120 : memref<50xi32, #tpu.memory_space<vmem>>) semaphore(%arg13 : memref<!tpu.dma_semaphore, #tpu.memory_space<semaphore_mem>>)
    %dma_start3A_124 = arith.constant 3 : i32
    %dma_start3A_125 = arith.constant 1 : i32
    %dma_start3A_126 = arith.constant 1 : i32
    %dma_start3A_127 = arith.constant 0 : i32
    %dma_start3A_128 = arith.constant 0 : i32
    %dma_start3A_129 = tpu.memref_slice %arg9[%dma_start3A_126, %dma_start3A_127, %dma_start3A_128] : memref<2x50x128xf32, #tpu.memory_space<vmem>> -> memref<1x50x128xf32, #tpu.memory_space<vmem>>
    %dma_start3A_130 = tpu.memref_squeeze %dma_start3A_129 : memref<1x50x128xf32, #tpu.memory_space<vmem>> -> memref<50x128xf32, #tpu.memory_space<vmem>>
    %dma_start3A_131 = arith.constant 0 : i32
    %dma_start3A_132 = tpu.memref_slice %arg5[%dma_start3A_124, %dma_start3A_125, %dma_start3A_131] : memref<256x2x56xi32, #tpu.memory_space<vmem>> -> memref<1x1x50xi32, #tpu.memory_space<vmem>>
    %dma_start3A_133 = tpu.memref_squeeze %dma_start3A_132 : memref<1x1x50xi32, #tpu.memory_space<vmem>> -> memref<50xi32, #tpu.memory_space<vmem>>
    %dma_start3A_134 = arith.constant 0 : i32
    %dma_start3A_135 = arith.constant 0 : i32
    %dma_start3A_136 = tpu.memref_slice %arg3[%dma_start3A_134, %dma_start3A_135] : memref<100000x128xf32, #tpu.memory_space<hbm>> -> memref<100000x128xf32, #tpu.memory_space<hbm>>
    tpu.enqueue_indirect_dma source(%dma_start3A_136 : memref<100000x128xf32, #tpu.memory_space<hbm>>) target(%dma_start3A_130 : memref<50x128xf32, #tpu.memory_space<vmem>>) offsets(%dma_start3A_133 : memref<50xi32, #tpu.memory_space<vmem>>) semaphore(%arg13 : memref<!tpu.dma_semaphore, #tpu.memory_space<semaphore_mem>>)
    %scan3A = arith.constant 0 : i32
    %scan3A_137 = arith.constant 0 : i32
    %scan3A_138 = arith.constant 63 : i32
    %scan3A_139 = arith.addi %scan3A_137, %scan3A_138 : i32
    %scan3A_140 = arith.constant 1 : i32
    scf.for %scan3A_206 = %scan3A_137 to %scan3A_139 step %scan3A_140  : i32 {
      %mul3A_207 = arith.constant 4 : i32
      %mul3A_208 = arith.muli %mul3A_207, %scan3A_206 : i32
      %add3A_209 = arith.constant 2 : i32
      %add3A_210 = arith.addi %mul3A_208, %add3A_209 : i32
      %add3A_211 = arith.constant 0 : i32
      %add3A_212 = arith.addi %add3A_210, %add3A_211 : i32
      %dma_wait3A_213 = arith.constant 0 : i32
      %dma_wait3A_214 = arith.constant 0 : i32
      %dma_wait3A_215 = arith.constant 0 : i32
      %dma_wait3A_216 = tpu.memref_slice %arg4[%dma_wait3A_213, %dma_wait3A_214, %dma_wait3A_215] : memref<16384x50x128xf32, #tpu.memory_space<hbm>> -> memref<2x50x128xf32, #tpu.memory_space<hbm>>
      %dma_wait3A_217 = arith.constant 0 : i32
      %dma_wait3A_218 = arith.constant 0 : i32
      %dma_wait3A_219 = arith.constant 0 : i32
      %dma_wait3A_220 = tpu.memref_slice %arg4[%dma_wait3A_217, %dma_wait3A_218, %dma_wait3A_219] : memref<16384x50x128xf32, #tpu.memory_space<hbm>> -> memref<2x50x128xf32, #tpu.memory_space<hbm>>
      tpu.wait_dma2 semaphore(%arg12 : memref<!tpu.dma_semaphore, #tpu.memory_space<semaphore_mem>>) src(%dma_wait3A_220 : memref<2x50x128xf32, #tpu.memory_space<hbm>>) dst(%arg8 : memref<2x50x128xf32, #tpu.memory_space<vmem>>)
      %mul3A_221 = arith.constant 2 : i32
      %mul3A_222 = arith.muli %mul3A_221, %add3A_212 : i32
      %add3A_223 = arith.addi %mul3A_2, %mul3A_222 : i32
      %dma_start3A_224 = arith.constant 0 : i32
      %dma_start3A_225 = arith.constant 0 : i32
      %dma_start3A_226 = tpu.memref_slice %arg4[%add3A_223, %dma_start3A_224, %dma_start3A_225] : memref<16384x50x128xf32, #tpu.memory_space<hbm>> -> memref<2x50x128xf32, #tpu.memory_space<hbm>>
      %dma_start3A_227 = arith.constant 0 : i32
      %dma_start3A_228 = arith.constant 0 : i32
      %dma_start3A_229 = tpu.memref_slice %arg4[%add3A_223, %dma_start3A_227, %dma_start3A_228] : memref<16384x50x128xf32, #tpu.memory_space<hbm>> -> memref<2x50x128xf32, #tpu.memory_space<hbm>>
      tpu.enqueue_dma source(%arg8 : memref<2x50x128xf32, #tpu.memory_space<vmem>>) target(%dma_start3A_229 : memref<2x50x128xf32, #tpu.memory_space<hbm>>) target_semaphore(%arg16 : memref<!tpu.dma_semaphore, #tpu.memory_space<semaphore_mem>>)
      %add3A_230 = arith.constant 2 : i32
      %add3A_231 = arith.addi %add3A_212, %add3A_230 : i32
      %sub3A = arith.constant 4 : i32
      %sub3A_232 = arith.subi %add3A_231, %sub3A : i32
      %mul3A_233 = arith.constant 2 : i32
      %mul3A_234 = arith.muli %mul3A_233, %sub3A_232 : i32
      %add3A_235 = arith.addi %mul3A_2, %mul3A_234 : i32
      %dma_wait3A_236 = arith.constant 0 : i32
      %dma_wait3A_237 = arith.constant 0 : i32
      %dma_wait3A_238 = tpu.memref_slice %arg4[%add3A_235, %dma_wait3A_236, %dma_wait3A_237] : memref<16384x50x128xf32, #tpu.memory_space<hbm>> -> memref<2x50x128xf32, #tpu.memory_space<hbm>>
      %dma_wait3A_239 = arith.constant 0 : i32
      %dma_wait3A_240 = arith.constant 0 : i32
      %dma_wait3A_241 = tpu.memref_slice %arg4[%add3A_235, %dma_wait3A_239, %dma_wait3A_240] : memref<16384x50x128xf32, #tpu.memory_space<hbm>> -> memref<2x50x128xf32, #tpu.memory_space<hbm>>
      tpu.wait_dma2 semaphore(%arg14 : memref<!tpu.dma_semaphore, #tpu.memory_space<semaphore_mem>>) src(%arg6 : memref<2x50x128xf32, #tpu.memory_space<vmem>>) dst(%dma_wait3A_241 : memref<2x50x128xf32, #tpu.memory_space<hbm>>)
      %add3A_242 = arith.constant 2 : i32
      %add3A_243 = arith.addi %add3A_212, %add3A_242 : i32
      %dma_start3A_244 = arith.constant 0 : i32
      %dma_start3A_245 = arith.constant 0 : i32
      %dma_start3A_246 = arith.constant 0 : i32
      %dma_start3A_247 = arith.constant 0 : i32
      %dma_start3A_248 = tpu.memref_slice %arg6[%dma_start3A_245, %dma_start3A_246, %dma_start3A_247] : memref<2x50x128xf32, #tpu.memory_space<vmem>> -> memref<1x50x128xf32, #tpu.memory_space<vmem>>
      %dma_start3A_249 = tpu.memref_squeeze %dma_start3A_248 : memref<1x50x128xf32, #tpu.memory_space<vmem>> -> memref<50x128xf32, #tpu.memory_space<vmem>>
      %dma_start3A_250 = arith.constant 0 : i32
      %dma_start3A_251 = tpu.memref_slice %arg5[%add3A_243, %dma_start3A_244, %dma_start3A_250] : memref<256x2x56xi32, #tpu.memory_space<vmem>> -> memref<1x1x50xi32, #tpu.memory_space<vmem>>
      %dma_start3A_252 = tpu.memref_squeeze %dma_start3A_251 : memref<1x1x50xi32, #tpu.memory_space<vmem>> -> memref<50xi32, #tpu.memory_space<vmem>>
      %dma_start3A_253 = arith.constant 0 : i32
      %dma_start3A_254 = arith.constant 0 : i32
      %dma_start3A_255 = tpu.memref_slice %arg3[%dma_start3A_253, %dma_start3A_254] : memref<100000x128xf32, #tpu.memory_space<hbm>> -> memref<100000x128xf32, #tpu.memory_space<hbm>>
      tpu.enqueue_indirect_dma source(%dma_start3A_255 : memref<100000x128xf32, #tpu.memory_space<hbm>>) target(%dma_start3A_249 : memref<50x128xf32, #tpu.memory_space<vmem>>) offsets(%dma_start3A_252 : memref<50xi32, #tpu.memory_space<vmem>>) semaphore(%arg10 : memref<!tpu.dma_semaphore, #tpu.memory_space<semaphore_mem>>)
      %dma_start3A_256 = arith.constant 1 : i32
      %dma_start3A_257 = arith.constant 1 : i32
      %dma_start3A_258 = arith.constant 0 : i32
      %dma_start3A_259 = arith.constant 0 : i32
      %dma_start3A_260 = tpu.memref_slice %arg6[%dma_start3A_257, %dma_start3A_258, %dma_start3A_259] : memref<2x50x128xf32, #tpu.memory_space<vmem>> -> memref<1x50x128xf32, #tpu.memory_space<vmem>>
      %dma_start3A_261 = tpu.memref_squeeze %dma_start3A_260 : memref<1x50x128xf32, #tpu.memory_space<vmem>> -> memref<50x128xf32, #tpu.memory_space<vmem>>
      %dma_start3A_262 = arith.constant 0 : i32
      %dma_start3A_263 = tpu.memref_slice %arg5[%add3A_243, %dma_start3A_256, %dma_start3A_262] : memref<256x2x56xi32, #tpu.memory_space<vmem>> -> memref<1x1x50xi32, #tpu.memory_space<vmem>>
      %dma_start3A_264 = tpu.memref_squeeze %dma_start3A_263 : memref<1x1x50xi32, #tpu.memory_space<vmem>> -> memref<50xi32, #tpu.memory_space<vmem>>
      %dma_start3A_265 = arith.constant 0 : i32
      %dma_start3A_266 = arith.constant 0 : i32
      %dma_start3A_267 = tpu.memref_slice %arg3[%dma_start3A_265, %dma_start3A_266] : memref<100000x128xf32, #tpu.memory_space<hbm>> -> memref<100000x128xf32, #tpu.memory_space<hbm>>
      tpu.enqueue_indirect_dma source(%dma_start3A_267 : memref<100000x128xf32, #tpu.memory_space<hbm>>) target(%dma_start3A_261 : memref<50x128xf32, #tpu.memory_space<vmem>>) offsets(%dma_start3A_264 : memref<50xi32, #tpu.memory_space<vmem>>) semaphore(%arg10 : memref<!tpu.dma_semaphore, #tpu.memory_space<semaphore_mem>>)
      %add3A_268 = arith.constant 1 : i32
      %add3A_269 = arith.addi %add3A_210, %add3A_268 : i32
      %dma_wait3A_270 = arith.constant 0 : i32
      %dma_wait3A_271 = arith.constant 0 : i32
      %dma_wait3A_272 = arith.constant 0 : i32
      %dma_wait3A_273 = tpu.memref_slice %arg4[%dma_wait3A_270, %dma_wait3A_271, %dma_wait3A_272] : memref<16384x50x128xf32, #tpu.memory_space<hbm>> -> memref<2x50x128xf32, #tpu.memory_space<hbm>>
      %dma_wait3A_274 = arith.constant 0 : i32
      %dma_wait3A_275 = arith.constant 0 : i32
      %dma_wait3A_276 = arith.constant 0 : i32
      %dma_wait3A_277 = tpu.memref_slice %arg4[%dma_wait3A_274, %dma_wait3A_275, %dma_wait3A_276] : memref<16384x50x128xf32, #tpu.memory_space<hbm>> -> memref<2x50x128xf32, #tpu.memory_space<hbm>>
      tpu.wait_dma2 semaphore(%arg13 : memref<!tpu.dma_semaphore, #tpu.memory_space<semaphore_mem>>) src(%dma_wait3A_277 : memref<2x50x128xf32, #tpu.memory_space<hbm>>) dst(%arg9 : memref<2x50x128xf32, #tpu.memory_space<vmem>>)
      %mul3A_278 = arith.constant 2 : i32
      %mul3A_279 = arith.muli %mul3A_278, %add3A_269 : i32
      %add3A_280 = arith.addi %mul3A_2, %mul3A_279 : i32
      %dma_start3A_281 = arith.constant 0 : i32
      %dma_start3A_282 = arith.constant 0 : i32
      %dma_start3A_283 = tpu.memref_slice %arg4[%add3A_280, %dma_start3A_281, %dma_start3A_282] : memref<16384x50x128xf32, #tpu.memory_space<hbm>> -> memref<2x50x128xf32, #tpu.memory_space<hbm>>
      %dma_start3A_284 = arith.constant 0 : i32
      %dma_start3A_285 = arith.constant 0 : i32
      %dma_start3A_286 = tpu.memref_slice %arg4[%add3A_280, %dma_start3A_284, %dma_start3A_285] : memref<16384x50x128xf32, #tpu.memory_space<hbm>> -> memref<2x50x128xf32, #tpu.memory_space<hbm>>
      tpu.enqueue_dma source(%arg9 : memref<2x50x128xf32, #tpu.memory_space<vmem>>) target(%dma_start3A_286 : memref<2x50x128xf32, #tpu.memory_space<hbm>>) target_semaphore(%arg17 : memref<!tpu.dma_semaphore, #tpu.memory_space<semaphore_mem>>)
      %add3A_287 = arith.constant 2 : i32
      %add3A_288 = arith.addi %add3A_269, %add3A_287 : i32
      %sub3A_289 = arith.constant 4 : i32
      %sub3A_290 = arith.subi %add3A_288, %sub3A_289 : i32
      %mul3A_291 = arith.constant 2 : i32
      %mul3A_292 = arith.muli %mul3A_291, %sub3A_290 : i32
      %add3A_293 = arith.addi %mul3A_2, %mul3A_292 : i32
      %dma_wait3A_294 = arith.constant 0 : i32
      %dma_wait3A_295 = arith.constant 0 : i32
      %dma_wait3A_296 = tpu.memref_slice %arg4[%add3A_293, %dma_wait3A_294, %dma_wait3A_295] : memref<16384x50x128xf32, #tpu.memory_space<hbm>> -> memref<2x50x128xf32, #tpu.memory_space<hbm>>
      %dma_wait3A_297 = arith.constant 0 : i32
      %dma_wait3A_298 = arith.constant 0 : i32
      %dma_wait3A_299 = tpu.memref_slice %arg4[%add3A_293, %dma_wait3A_297, %dma_wait3A_298] : memref<16384x50x128xf32, #tpu.memory_space<hbm>> -> memref<2x50x128xf32, #tpu.memory_space<hbm>>
      tpu.wait_dma2 semaphore(%arg15 : memref<!tpu.dma_semaphore, #tpu.memory_space<semaphore_mem>>) src(%arg7 : memref<2x50x128xf32, #tpu.memory_space<vmem>>) dst(%dma_wait3A_299 : memref<2x50x128xf32, #tpu.memory_space<hbm>>)
      %add3A_300 = arith.constant 2 : i32
      %add3A_301 = arith.addi %add3A_269, %add3A_300 : i32
      %dma_start3A_302 = arith.constant 0 : i32
      %dma_start3A_303 = arith.constant 0 : i32
      %dma_start3A_304 = arith.constant 0 : i32
      %dma_start3A_305 = arith.constant 0 : i32
      %dma_start3A_306 = tpu.memref_slice %arg7[%dma_start3A_303, %dma_start3A_304, %dma_start3A_305] : memref<2x50x128xf32, #tpu.memory_space<vmem>> -> memref<1x50x128xf32, #tpu.memory_space<vmem>>
      %dma_start3A_307 = tpu.memref_squeeze %dma_start3A_306 : memref<1x50x128xf32, #tpu.memory_space<vmem>> -> memref<50x128xf32, #tpu.memory_space<vmem>>
      %dma_start3A_308 = arith.constant 0 : i32
      %dma_start3A_309 = tpu.memref_slice %arg5[%add3A_301, %dma_start3A_302, %dma_start3A_308] : memref<256x2x56xi32, #tpu.memory_space<vmem>> -> memref<1x1x50xi32, #tpu.memory_space<vmem>>
      %dma_start3A_310 = tpu.memref_squeeze %dma_start3A_309 : memref<1x1x50xi32, #tpu.memory_space<vmem>> -> memref<50xi32, #tpu.memory_space<vmem>>
      %dma_start3A_311 = arith.constant 0 : i32
      %dma_start3A_312 = arith.constant 0 : i32
      %dma_start3A_313 = tpu.memref_slice %arg3[%dma_start3A_311, %dma_start3A_312] : memref<100000x128xf32, #tpu.memory_space<hbm>> -> memref<100000x128xf32, #tpu.memory_space<hbm>>
      tpu.enqueue_indirect_dma source(%dma_start3A_313 : memref<100000x128xf32, #tpu.memory_space<hbm>>) target(%dma_start3A_307 : memref<50x128xf32, #tpu.memory_space<vmem>>) offsets(%dma_start3A_310 : memref<50xi32, #tpu.memory_space<vmem>>) semaphore(%arg11 : memref<!tpu.dma_semaphore, #tpu.memory_space<semaphore_mem>>)
      %dma_start3A_314 = arith.constant 1 : i32
      %dma_start3A_315 = arith.constant 1 : i32
      %dma_start3A_316 = arith.constant 0 : i32
      %dma_start3A_317 = arith.constant 0 : i32
      %dma_start3A_318 = tpu.memref_slice %arg7[%dma_start3A_315, %dma_start3A_316, %dma_start3A_317] : memref<2x50x128xf32, #tpu.memory_space<vmem>> -> memref<1x50x128xf32, #tpu.memory_space<vmem>>
      %dma_start3A_319 = tpu.memref_squeeze %dma_start3A_318 : memref<1x50x128xf32, #tpu.memory_space<vmem>> -> memref<50x128xf32, #tpu.memory_space<vmem>>
      %dma_start3A_320 = arith.constant 0 : i32
      %dma_start3A_321 = tpu.memref_slice %arg5[%add3A_301, %dma_start3A_314, %dma_start3A_320] : memref<256x2x56xi32, #tpu.memory_space<vmem>> -> memref<1x1x50xi32, #tpu.memory_space<vmem>>
      %dma_start3A_322 = tpu.memref_squeeze %dma_start3A_321 : memref<1x1x50xi32, #tpu.memory_space<vmem>> -> memref<50xi32, #tpu.memory_space<vmem>>
      %dma_start3A_323 = arith.constant 0 : i32
      %dma_start3A_324 = arith.constant 0 : i32
      %dma_start3A_325 = tpu.memref_slice %arg3[%dma_start3A_323, %dma_start3A_324] : memref<100000x128xf32, #tpu.memory_space<hbm>> -> memref<100000x128xf32, #tpu.memory_space<hbm>>
      tpu.enqueue_indirect_dma source(%dma_start3A_325 : memref<100000x128xf32, #tpu.memory_space<hbm>>) target(%dma_start3A_319 : memref<50x128xf32, #tpu.memory_space<vmem>>) offsets(%dma_start3A_322 : memref<50xi32, #tpu.memory_space<vmem>>) semaphore(%arg11 : memref<!tpu.dma_semaphore, #tpu.memory_space<semaphore_mem>>)
      %add3A_326 = arith.constant 2 : i32
      %add3A_327 = arith.addi %add3A_210, %add3A_326 : i32
      %dma_wait3A_328 = arith.constant 0 : i32
      %dma_wait3A_329 = arith.constant 0 : i32
      %dma_wait3A_330 = arith.constant 0 : i32
      %dma_wait3A_331 = tpu.memref_slice %arg4[%dma_wait3A_328, %dma_wait3A_329, %dma_wait3A_330] : memref<16384x50x128xf32, #tpu.memory_space<hbm>> -> memref<2x50x128xf32, #tpu.memory_space<hbm>>
      %dma_wait3A_332 = arith.constant 0 : i32
      %dma_wait3A_333 = arith.constant 0 : i32
      %dma_wait3A_334 = arith.constant 0 : i32
      %dma_wait3A_335 = tpu.memref_slice %arg4[%dma_wait3A_332, %dma_wait3A_333, %dma_wait3A_334] : memref<16384x50x128xf32, #tpu.memory_space<hbm>> -> memref<2x50x128xf32, #tpu.memory_space<hbm>>
      tpu.wait_dma2 semaphore(%arg10 : memref<!tpu.dma_semaphore, #tpu.memory_space<semaphore_mem>>) src(%dma_wait3A_335 : memref<2x50x128xf32, #tpu.memory_space<hbm>>) dst(%arg6 : memref<2x50x128xf32, #tpu.memory_space<vmem>>)
      %mul3A_336 = arith.constant 2 : i32
      %mul3A_337 = arith.muli %mul3A_336, %add3A_327 : i32
      %add3A_338 = arith.addi %mul3A_2, %mul3A_337 : i32
      %dma_start3A_339 = arith.constant 0 : i32
      %dma_start3A_340 = arith.constant 0 : i32
      %dma_start3A_341 = tpu.memref_slice %arg4[%add3A_338, %dma_start3A_339, %dma_start3A_340] : memref<16384x50x128xf32, #tpu.memory_space<hbm>> -> memref<2x50x128xf32, #tpu.memory_space<hbm>>
      %dma_start3A_342 = arith.constant 0 : i32
      %dma_start3A_343 = arith.constant 0 : i32
      %dma_start3A_344 = tpu.memref_slice %arg4[%add3A_338, %dma_start3A_342, %dma_start3A_343] : memref<16384x50x128xf32, #tpu.memory_space<hbm>> -> memref<2x50x128xf32, #tpu.memory_space<hbm>>
      tpu.enqueue_dma source(%arg6 : memref<2x50x128xf32, #tpu.memory_space<vmem>>) target(%dma_start3A_344 : memref<2x50x128xf32, #tpu.memory_space<hbm>>) target_semaphore(%arg14 : memref<!tpu.dma_semaphore, #tpu.memory_space<semaphore_mem>>)
      %add3A_345 = arith.constant 2 : i32
      %add3A_346 = arith.addi %add3A_327, %add3A_345 : i32
      %sub3A_347 = arith.constant 4 : i32
      %sub3A_348 = arith.subi %add3A_346, %sub3A_347 : i32
      %mul3A_349 = arith.constant 2 : i32
      %mul3A_350 = arith.muli %mul3A_349, %sub3A_348 : i32
      %add3A_351 = arith.addi %mul3A_2, %mul3A_350 : i32
      %dma_wait3A_352 = arith.constant 0 : i32
      %dma_wait3A_353 = arith.constant 0 : i32
      %dma_wait3A_354 = tpu.memref_slice %arg4[%add3A_351, %dma_wait3A_352, %dma_wait3A_353] : memref<16384x50x128xf32, #tpu.memory_space<hbm>> -> memref<2x50x128xf32, #tpu.memory_space<hbm>>
      %dma_wait3A_355 = arith.constant 0 : i32
      %dma_wait3A_356 = arith.constant 0 : i32
      %dma_wait3A_357 = tpu.memref_slice %arg4[%add3A_351, %dma_wait3A_355, %dma_wait3A_356] : memref<16384x50x128xf32, #tpu.memory_space<hbm>> -> memref<2x50x128xf32, #tpu.memory_space<hbm>>
      tpu.wait_dma2 semaphore(%arg16 : memref<!tpu.dma_semaphore, #tpu.memory_space<semaphore_mem>>) src(%arg8 : memref<2x50x128xf32, #tpu.memory_space<vmem>>) dst(%dma_wait3A_357 : memref<2x50x128xf32, #tpu.memory_space<hbm>>)
      %add3A_358 = arith.constant 2 : i32
      %add3A_359 = arith.addi %add3A_327, %add3A_358 : i32
      %dma_start3A_360 = arith.constant 0 : i32
      %dma_start3A_361 = arith.constant 0 : i32
      %dma_start3A_362 = arith.constant 0 : i32
      %dma_start3A_363 = arith.constant 0 : i32
      %dma_start3A_364 = tpu.memref_slice %arg8[%dma_start3A_361, %dma_start3A_362, %dma_start3A_363] : memref<2x50x128xf32, #tpu.memory_space<vmem>> -> memref<1x50x128xf32, #tpu.memory_space<vmem>>
      %dma_start3A_365 = tpu.memref_squeeze %dma_start3A_364 : memref<1x50x128xf32, #tpu.memory_space<vmem>> -> memref<50x128xf32, #tpu.memory_space<vmem>>
      %dma_start3A_366 = arith.constant 0 : i32
      %dma_start3A_367 = tpu.memref_slice %arg5[%add3A_359, %dma_start3A_360, %dma_start3A_366] : memref<256x2x56xi32, #tpu.memory_space<vmem>> -> memref<1x1x50xi32, #tpu.memory_space<vmem>>
      %dma_start3A_368 = tpu.memref_squeeze %dma_start3A_367 : memref<1x1x50xi32, #tpu.memory_space<vmem>> -> memref<50xi32, #tpu.memory_space<vmem>>
      %dma_start3A_369 = arith.constant 0 : i32
      %dma_start3A_370 = arith.constant 0 : i32
      %dma_start3A_371 = tpu.memref_slice %arg3[%dma_start3A_369, %dma_start3A_370] : memref<100000x128xf32, #tpu.memory_space<hbm>> -> memref<100000x128xf32, #tpu.memory_space<hbm>>
      tpu.enqueue_indirect_dma source(%dma_start3A_371 : memref<100000x128xf32, #tpu.memory_space<hbm>>) target(%dma_start3A_365 : memref<50x128xf32, #tpu.memory_space<vmem>>) offsets(%dma_start3A_368 : memref<50xi32, #tpu.memory_space<vmem>>) semaphore(%arg12 : memref<!tpu.dma_semaphore, #tpu.memory_space<semaphore_mem>>)
      %dma_start3A_372 = arith.constant 1 : i32
      %dma_start3A_373 = arith.constant 1 : i32
      %dma_start3A_374 = arith.constant 0 : i32
      %dma_start3A_375 = arith.constant 0 : i32
      %dma_start3A_376 = tpu.memref_slice %arg8[%dma_start3A_373, %dma_start3A_374, %dma_start3A_375] : memref<2x50x128xf32, #tpu.memory_space<vmem>> -> memref<1x50x128xf32, #tpu.memory_space<vmem>>
      %dma_start3A_377 = tpu.memref_squeeze %dma_start3A_376 : memref<1x50x128xf32, #tpu.memory_space<vmem>> -> memref<50x128xf32, #tpu.memory_space<vmem>>
      %dma_start3A_378 = arith.constant 0 : i32
      %dma_start3A_379 = tpu.memref_slice %arg5[%add3A_359, %dma_start3A_372, %dma_start3A_378] : memref<256x2x56xi32, #tpu.memory_space<vmem>> -> memref<1x1x50xi32, #tpu.memory_space<vmem>>
      %dma_start3A_380 = tpu.memref_squeeze %dma_start3A_379 : memref<1x1x50xi32, #tpu.memory_space<vmem>> -> memref<50xi32, #tpu.memory_space<vmem>>
      %dma_start3A_381 = arith.constant 0 : i32
      %dma_start3A_382 = arith.constant 0 : i32
      %dma_start3A_383 = tpu.memref_slice %arg3[%dma_start3A_381, %dma_start3A_382] : memref<100000x128xf32, #tpu.memory_space<hbm>> -> memref<100000x128xf32, #tpu.memory_space<hbm>>
      tpu.enqueue_indirect_dma source(%dma_start3A_383 : memref<100000x128xf32, #tpu.memory_space<hbm>>) target(%dma_start3A_377 : memref<50x128xf32, #tpu.memory_space<vmem>>) offsets(%dma_start3A_380 : memref<50xi32, #tpu.memory_space<vmem>>) semaphore(%arg12 : memref<!tpu.dma_semaphore, #tpu.memory_space<semaphore_mem>>)
      %add3A_384 = arith.constant 3 : i32
      %add3A_385 = arith.addi %add3A_210, %add3A_384 : i32
      %dma_wait3A_386 = arith.constant 0 : i32
      %dma_wait3A_387 = arith.constant 0 : i32
      %dma_wait3A_388 = arith.constant 0 : i32
      %dma_wait3A_389 = tpu.memref_slice %arg4[%dma_wait3A_386, %dma_wait3A_387, %dma_wait3A_388] : memref<16384x50x128xf32, #tpu.memory_space<hbm>> -> memref<2x50x128xf32, #tpu.memory_space<hbm>>
      %dma_wait3A_390 = arith.constant 0 : i32
      %dma_wait3A_391 = arith.constant 0 : i32
      %dma_wait3A_392 = arith.constant 0 : i32
      %dma_wait3A_393 = tpu.memref_slice %arg4[%dma_wait3A_390, %dma_wait3A_391, %dma_wait3A_392] : memref<16384x50x128xf32, #tpu.memory_space<hbm>> -> memref<2x50x128xf32, #tpu.memory_space<hbm>>
      tpu.wait_dma2 semaphore(%arg11 : memref<!tpu.dma_semaphore, #tpu.memory_space<semaphore_mem>>) src(%dma_wait3A_393 : memref<2x50x128xf32, #tpu.memory_space<hbm>>) dst(%arg7 : memref<2x50x128xf32, #tpu.memory_space<vmem>>)
      %mul3A_394 = arith.constant 2 : i32
      %mul3A_395 = arith.muli %mul3A_394, %add3A_385 : i32
      %add3A_396 = arith.addi %mul3A_2, %mul3A_395 : i32
      %dma_start3A_397 = arith.constant 0 : i32
      %dma_start3A_398 = arith.constant 0 : i32
      %dma_start3A_399 = tpu.memref_slice %arg4[%add3A_396, %dma_start3A_397, %dma_start3A_398] : memref<16384x50x128xf32, #tpu.memory_space<hbm>> -> memref<2x50x128xf32, #tpu.memory_space<hbm>>
      %dma_start3A_400 = arith.constant 0 : i32
      %dma_start3A_401 = arith.constant 0 : i32
      %dma_start3A_402 = tpu.memref_slice %arg4[%add3A_396, %dma_start3A_400, %dma_start3A_401] : memref<16384x50x128xf32, #tpu.memory_space<hbm>> -> memref<2x50x128xf32, #tpu.memory_space<hbm>>
      tpu.enqueue_dma source(%arg7 : memref<2x50x128xf32, #tpu.memory_space<vmem>>) target(%dma_start3A_402 : memref<2x50x128xf32, #tpu.memory_space<hbm>>) target_semaphore(%arg15 : memref<!tpu.dma_semaphore, #tpu.memory_space<semaphore_mem>>)
      %add3A_403 = arith.constant 2 : i32
      %add3A_404 = arith.addi %add3A_385, %add3A_403 : i32
      %sub3A_405 = arith.constant 4 : i32
      %sub3A_406 = arith.subi %add3A_404, %sub3A_405 : i32
      %mul3A_407 = arith.constant 2 : i32
      %mul3A_408 = arith.muli %mul3A_407, %sub3A_406 : i32
      %add3A_409 = arith.addi %mul3A_2, %mul3A_408 : i32
      %dma_wait3A_410 = arith.constant 0 : i32
      %dma_wait3A_411 = arith.constant 0 : i32
      %dma_wait3A_412 = tpu.memref_slice %arg4[%add3A_409, %dma_wait3A_410, %dma_wait3A_411] : memref<16384x50x128xf32, #tpu.memory_space<hbm>> -> memref<2x50x128xf32, #tpu.memory_space<hbm>>
      %dma_wait3A_413 = arith.constant 0 : i32
      %dma_wait3A_414 = arith.constant 0 : i32
      %dma_wait3A_415 = tpu.memref_slice %arg4[%add3A_409, %dma_wait3A_413, %dma_wait3A_414] : memref<16384x50x128xf32, #tpu.memory_space<hbm>> -> memref<2x50x128xf32, #tpu.memory_space<hbm>>
      tpu.wait_dma2 semaphore(%arg17 : memref<!tpu.dma_semaphore, #tpu.memory_space<semaphore_mem>>) src(%arg9 : memref<2x50x128xf32, #tpu.memory_space<vmem>>) dst(%dma_wait3A_415 : memref<2x50x128xf32, #tpu.memory_space<hbm>>)
      %add3A_416 = arith.constant 2 : i32
      %add3A_417 = arith.addi %add3A_385, %add3A_416 : i32
      %dma_start3A_418 = arith.constant 0 : i32
      %dma_start3A_419 = arith.constant 0 : i32
      %dma_start3A_420 = arith.constant 0 : i32
      %dma_start3A_421 = arith.constant 0 : i32
      %dma_start3A_422 = tpu.memref_slice %arg9[%dma_start3A_419, %dma_start3A_420, %dma_start3A_421] : memref<2x50x128xf32, #tpu.memory_space<vmem>> -> memref<1x50x128xf32, #tpu.memory_space<vmem>>
      %dma_start3A_423 = tpu.memref_squeeze %dma_start3A_422 : memref<1x50x128xf32, #tpu.memory_space<vmem>> -> memref<50x128xf32, #tpu.memory_space<vmem>>
      %dma_start3A_424 = arith.constant 0 : i32
      %dma_start3A_425 = tpu.memref_slice %arg5[%add3A_417, %dma_start3A_418, %dma_start3A_424] : memref<256x2x56xi32, #tpu.memory_space<vmem>> -> memref<1x1x50xi32, #tpu.memory_space<vmem>>
      %dma_start3A_426 = tpu.memref_squeeze %dma_start3A_425 : memref<1x1x50xi32, #tpu.memory_space<vmem>> -> memref<50xi32, #tpu.memory_space<vmem>>
      %dma_start3A_427 = arith.constant 0 : i32
      %dma_start3A_428 = arith.constant 0 : i32
      %dma_start3A_429 = tpu.memref_slice %arg3[%dma_start3A_427, %dma_start3A_428] : memref<100000x128xf32, #tpu.memory_space<hbm>> -> memref<100000x128xf32, #tpu.memory_space<hbm>>
      tpu.enqueue_indirect_dma source(%dma_start3A_429 : memref<100000x128xf32, #tpu.memory_space<hbm>>) target(%dma_start3A_423 : memref<50x128xf32, #tpu.memory_space<vmem>>) offsets(%dma_start3A_426 : memref<50xi32, #tpu.memory_space<vmem>>) semaphore(%arg13 : memref<!tpu.dma_semaphore, #tpu.memory_space<semaphore_mem>>)
      %dma_start3A_430 = arith.constant 1 : i32
      %dma_start3A_431 = arith.constant 1 : i32
      %dma_start3A_432 = arith.constant 0 : i32
      %dma_start3A_433 = arith.constant 0 : i32
      %dma_start3A_434 = tpu.memref_slice %arg9[%dma_start3A_431, %dma_start3A_432, %dma_start3A_433] : memref<2x50x128xf32, #tpu.memory_space<vmem>> -> memref<1x50x128xf32, #tpu.memory_space<vmem>>
      %dma_start3A_435 = tpu.memref_squeeze %dma_start3A_434 : memref<1x50x128xf32, #tpu.memory_space<vmem>> -> memref<50x128xf32, #tpu.memory_space<vmem>>
      %dma_start3A_436 = arith.constant 0 : i32
      %dma_start3A_437 = tpu.memref_slice %arg5[%add3A_417, %dma_start3A_430, %dma_start3A_436] : memref<256x2x56xi32, #tpu.memory_space<vmem>> -> memref<1x1x50xi32, #tpu.memory_space<vmem>>
      %dma_start3A_438 = tpu.memref_squeeze %dma_start3A_437 : memref<1x1x50xi32, #tpu.memory_space<vmem>> -> memref<50xi32, #tpu.memory_space<vmem>>
      %dma_start3A_439 = arith.constant 0 : i32
      %dma_start3A_440 = arith.constant 0 : i32
      %dma_start3A_441 = tpu.memref_slice %arg3[%dma_start3A_439, %dma_start3A_440] : memref<100000x128xf32, #tpu.memory_space<hbm>> -> memref<100000x128xf32, #tpu.memory_space<hbm>>
      tpu.enqueue_indirect_dma source(%dma_start3A_441 : memref<100000x128xf32, #tpu.memory_space<hbm>>) target(%dma_start3A_435 : memref<50x128xf32, #tpu.memory_space<vmem>>) offsets(%dma_start3A_438 : memref<50xi32, #tpu.memory_space<vmem>>) semaphore(%arg13 : memref<!tpu.dma_semaphore, #tpu.memory_space<semaphore_mem>>)
    }
    %scan3A_141 = arith.constant 63 : i32
    %dma_wait3A_142 = arith.constant 0 : i32
    %dma_wait3A_143 = arith.constant 0 : i32
    %dma_wait3A_144 = arith.constant 0 : i32
    %dma_wait3A_145 = tpu.memref_slice %arg4[%dma_wait3A_142, %dma_wait3A_143, %dma_wait3A_144] : memref<16384x50x128xf32, #tpu.memory_space<hbm>> -> memref<2x50x128xf32, #tpu.memory_space<hbm>>
    %dma_wait3A_146 = arith.constant 0 : i32
    %dma_wait3A_147 = arith.constant 0 : i32
    %dma_wait3A_148 = arith.constant 0 : i32
    %dma_wait3A_149 = tpu.memref_slice %arg4[%dma_wait3A_146, %dma_wait3A_147, %dma_wait3A_148] : memref<16384x50x128xf32, #tpu.memory_space<hbm>> -> memref<2x50x128xf32, #tpu.memory_space<hbm>>
    tpu.wait_dma2 semaphore(%arg12 : memref<!tpu.dma_semaphore, #tpu.memory_space<semaphore_mem>>) src(%dma_wait3A_149 : memref<2x50x128xf32, #tpu.memory_space<hbm>>) dst(%arg8 : memref<2x50x128xf32, #tpu.memory_space<vmem>>)
    %add3A_150 = arith.constant 508 : i32
    %add3A_151 = arith.addi %mul3A_2, %add3A_150 : i32
    %dma_start3A_152 = arith.constant 0 : i32
    %dma_start3A_153 = arith.constant 0 : i32
    %dma_start3A_154 = tpu.memref_slice %arg4[%add3A_151, %dma_start3A_152, %dma_start3A_153] : memref<16384x50x128xf32, #tpu.memory_space<hbm>> -> memref<2x50x128xf32, #tpu.memory_space<hbm>>
    %dma_start3A_155 = arith.constant 0 : i32
    %dma_start3A_156 = arith.constant 0 : i32
    %dma_start3A_157 = tpu.memref_slice %arg4[%add3A_151, %dma_start3A_155, %dma_start3A_156] : memref<16384x50x128xf32, #tpu.memory_space<hbm>> -> memref<2x50x128xf32, #tpu.memory_space<hbm>>
    tpu.enqueue_dma source(%arg8 : memref<2x50x128xf32, #tpu.memory_space<vmem>>) target(%dma_start3A_157 : memref<2x50x128xf32, #tpu.memory_space<hbm>>) target_semaphore(%arg16 : memref<!tpu.dma_semaphore, #tpu.memory_space<semaphore_mem>>)
    %dma_wait3A_158 = arith.constant 0 : i32
    %dma_wait3A_159 = arith.constant 0 : i32
    %dma_wait3A_160 = arith.constant 0 : i32
    %dma_wait3A_161 = tpu.memref_slice %arg4[%dma_wait3A_158, %dma_wait3A_159, %dma_wait3A_160] : memref<16384x50x128xf32, #tpu.memory_space<hbm>> -> memref<2x50x128xf32, #tpu.memory_space<hbm>>
    %dma_wait3A_162 = arith.constant 0 : i32
    %dma_wait3A_163 = arith.constant 0 : i32
    %dma_wait3A_164 = arith.constant 0 : i32
    %dma_wait3A_165 = tpu.memref_slice %arg4[%dma_wait3A_162, %dma_wait3A_163, %dma_wait3A_164] : memref<16384x50x128xf32, #tpu.memory_space<hbm>> -> memref<2x50x128xf32, #tpu.memory_space<hbm>>
    tpu.wait_dma2 semaphore(%arg13 : memref<!tpu.dma_semaphore, #tpu.memory_space<semaphore_mem>>) src(%dma_wait3A_165 : memref<2x50x128xf32, #tpu.memory_space<hbm>>) dst(%arg9 : memref<2x50x128xf32, #tpu.memory_space<vmem>>)
    %add3A_166 = arith.constant 510 : i32
    %add3A_167 = arith.addi %mul3A_2, %add3A_166 : i32
    %dma_start3A_168 = arith.constant 0 : i32
    %dma_start3A_169 = arith.constant 0 : i32
    %dma_start3A_170 = tpu.memref_slice %arg4[%add3A_167, %dma_start3A_168, %dma_start3A_169] : memref<16384x50x128xf32, #tpu.memory_space<hbm>> -> memref<2x50x128xf32, #tpu.memory_space<hbm>>
    %dma_start3A_171 = arith.constant 0 : i32
    %dma_start3A_172 = arith.constant 0 : i32
    %dma_start3A_173 = tpu.memref_slice %arg4[%add3A_167, %dma_start3A_171, %dma_start3A_172] : memref<16384x50x128xf32, #tpu.memory_space<hbm>> -> memref<2x50x128xf32, #tpu.memory_space<hbm>>
    tpu.enqueue_dma source(%arg9 : memref<2x50x128xf32, #tpu.memory_space<vmem>>) target(%dma_start3A_173 : memref<2x50x128xf32, #tpu.memory_space<hbm>>) target_semaphore(%arg17 : memref<!tpu.dma_semaphore, #tpu.memory_space<semaphore_mem>>)
    %add3A_174 = arith.constant 504 : i32
    %add3A_175 = arith.addi %mul3A_2, %add3A_174 : i32
    %dma_wait3A_176 = arith.constant 0 : i32
    %dma_wait3A_177 = arith.constant 0 : i32
    %dma_wait3A_178 = tpu.memref_slice %arg4[%add3A_175, %dma_wait3A_176, %dma_wait3A_177] : memref<16384x50x128xf32, #tpu.memory_space<hbm>> -> memref<2x50x128xf32, #tpu.memory_space<hbm>>
    %dma_wait3A_179 = arith.constant 0 : i32
    %dma_wait3A_180 = arith.constant 0 : i32
    %dma_wait3A_181 = tpu.memref_slice %arg4[%add3A_175, %dma_wait3A_179, %dma_wait3A_180] : memref<16384x50x128xf32, #tpu.memory_space<hbm>> -> memref<2x50x128xf32, #tpu.memory_space<hbm>>
    tpu.wait_dma2 semaphore(%arg14 : memref<!tpu.dma_semaphore, #tpu.memory_space<semaphore_mem>>) src(%arg6 : memref<2x50x128xf32, #tpu.memory_space<vmem>>) dst(%dma_wait3A_181 : memref<2x50x128xf32, #tpu.memory_space<hbm>>)
    %add3A_182 = arith.constant 506 : i32
    %add3A_183 = arith.addi %mul3A_2, %add3A_182 : i32
    %dma_wait3A_184 = arith.constant 0 : i32
    %dma_wait3A_185 = arith.constant 0 : i32
    %dma_wait3A_186 = tpu.memref_slice %arg4[%add3A_183, %dma_wait3A_184, %dma_wait3A_185] : memref<16384x50x128xf32, #tpu.memory_space<hbm>> -> memref<2x50x128xf32, #tpu.memory_space<hbm>>
    %dma_wait3A_187 = arith.constant 0 : i32
    %dma_wait3A_188 = arith.constant 0 : i32
    %dma_wait3A_189 = tpu.memref_slice %arg4[%add3A_183, %dma_wait3A_187, %dma_wait3A_188] : memref<16384x50x128xf32, #tpu.memory_space<hbm>> -> memref<2x50x128xf32, #tpu.memory_space<hbm>>
    tpu.wait_dma2 semaphore(%arg15 : memref<!tpu.dma_semaphore, #tpu.memory_space<semaphore_mem>>) src(%arg7 : memref<2x50x128xf32, #tpu.memory_space<vmem>>) dst(%dma_wait3A_189 : memref<2x50x128xf32, #tpu.memory_space<hbm>>)
    %add3A_190 = arith.constant 508 : i32
    %add3A_191 = arith.addi %mul3A_2, %add3A_190 : i32
    %dma_wait3A_192 = arith.constant 0 : i32
    %dma_wait3A_193 = arith.constant 0 : i32
    %dma_wait3A_194 = tpu.memref_slice %arg4[%add3A_191, %dma_wait3A_192, %dma_wait3A_193] : memref<16384x50x128xf32, #tpu.memory_space<hbm>> -> memref<2x50x128xf32, #tpu.memory_space<hbm>>
    %dma_wait3A_195 = arith.constant 0 : i32
    %dma_wait3A_196 = arith.constant 0 : i32
    %dma_wait3A_197 = tpu.memref_slice %arg4[%add3A_191, %dma_wait3A_195, %dma_wait3A_196] : memref<16384x50x128xf32, #tpu.memory_space<hbm>> -> memref<2x50x128xf32, #tpu.memory_space<hbm>>
    tpu.wait_dma2 semaphore(%arg16 : memref<!tpu.dma_semaphore, #tpu.memory_space<semaphore_mem>>) src(%arg8 : memref<2x50x128xf32, #tpu.memory_space<vmem>>) dst(%dma_wait3A_197 : memref<2x50x128xf32, #tpu.memory_space<hbm>>)
    %add3A_198 = arith.constant 510 : i32
    %add3A_199 = arith.addi %mul3A_2, %add3A_198 : i32
    %dma_wait3A_200 = arith.constant 0 : i32
    %dma_wait3A_201 = arith.constant 0 : i32
    %dma_wait3A_202 = tpu.memref_slice %arg4[%add3A_199, %dma_wait3A_200, %dma_wait3A_201] : memref<16384x50x128xf32, #tpu.memory_space<hbm>> -> memref<2x50x128xf32, #tpu.memory_space<hbm>>
    %dma_wait3A_203 = arith.constant 0 : i32
    %dma_wait3A_204 = arith.constant 0 : i32
    %dma_wait3A_205 = tpu.memref_slice %arg4[%add3A_199, %dma_wait3A_203, %dma_wait3A_204] : memref<16384x50x128xf32, #tpu.memory_space<hbm>> -> memref<2x50x128xf32, #tpu.memory_space<hbm>>
    tpu.wait_dma2 semaphore(%arg17 : memref<!tpu.dma_semaphore, #tpu.memory_space<semaphore_mem>>) src(%arg9 : memref<2x50x128xf32, #tpu.memory_space<vmem>>) dst(%dma_wait3A_205 : memref<2x50x128xf32, #tpu.memory_space<hbm>>)
    return
  }
}

</mosaic_0001>

<sc_bundles>
// kernel: kernel.3.cloned.1.call-start
scs
__scs_entry_jumppad:
0x0: {  	(pc) =	sbr.rel $0x88, $3  }
0x1: {  	(tag) =	ssettag $0x0;
	lr =	simm.s32 $0x1  }
0x2: {  	[smem:$0x3F9F] =	sst lr;
	_ =	strace $0xD0000000  }
0x3: {  	_ = 	snop  }
0x4: {  	_ = 	snop  }
0x5: {  	_ = 	snop  }
0x6: {  	_ = 	snop  }
0x7: {  	_ = 	snop  }
__scs_overlays_trampoline_lowered:
0x8: {  	[smem:$0x3FAE] =	sst s0  }
0x9: {  	[smem:$0x3FAF] =	sst s1  }
0xa: {  	[smem:$0x3FB0] =	sst s2  }
0xb: {  	[smem:$0x3FB1] =	sst s3  }
0xc: {  	[smem:$0x3FB2] =	sst s4  }
0xd: {  	[smem:$0x3FB3] =	sst s5  }
0xe: {  	[smem:$0x3FB4] =	sst s6  }
0xf: {  	[smem:$0x3FB5] =	sst s7  }
0x10: {  	[smem:$0x3FB6] =	sst s8  }
0x11: {  	[smem:$0x3FB7] =	sst s9;
	s0 =	simm.s32 @!p0 $0x0  }
0x12: {  	s1 =	sld [smem:$0x3F9D];
	s0 =	simm.s32 @p0 $0x1  }
0x13: {  	[smem:$0x3FB8] =	sst s0;
	s0 =	simm.s32 @!p1 $0x0  }
0x14: {  	s2 =	sld [smem:$0x3F9C];
	s0 =	simm.s32 @p1 $0x1  }
0x15: {  	[smem:$0x3FB9] =	sst s0;
	s0 =	simm.s32 @!p2 $0x0  }
0x16: {  	s3 =	sld [smem:$0x3FDB];
	s0 =	simm.s32 @p2 $0x1  }
0x17: {  	s4 =	simm.s32 $0x1BF5;
	[smem:$0x3FBB] =	sst s0  }
0x18: {  	s0 =	sld [smem:$0x3F9E];
	_ =	swait.ge [sflag:s4], $0x0  }
0x19: {  	s7 =	sld [smem:$0x3F9F]  }
0x1a: {  	s8 =	sadd.s32 $0xFFFFE003, lr  }
0x1b: {  	s9 =	sadd.s32 $0xFFFFFEF7, lr;
	s5 =	simm.s32 $0xFFFFFFFF;
	p2 =	slt.u32 s8, $0xFFFFF086  }
0x1c: {  	p1 =	slt.u32 s9, $0xF7A;
	s5 =	simm.s32 @!p2 $0x0  }
0x1d: {  	s5 =	simm.s32 @p1 $0x1;
	p0 =	seq.s32 s7, s2  }
0x1e: {  	s7 =	smul.u32 @!p0 $0xF7A, s2;
	p2 =	seq.s32 @!p0 s5, $0x0  }
0x1f: {  	s9 =	smul.u32 $0xF7A, s1;
	s8 =	simm.s32 @!p0 $0x1BF5;
	p2 =	por !p2, p0  }
0x20: {  	[sflag:s8] =	ssyncset.s32 @!p0 $0xFFFFF086;
	s6 =	sadd.s32 @!p0 s3, s7;
	s7 =	simm.s32 @!p0 $0x108  }
0x21: {  	s3 =	sadd.s32 s3, s9;
	s6 =	sadd.s32 @!p0 $0x88, s6;
	s7 =	simm.s32 @p2 $0x1082  }
0x22: {  	[simem:s7], [sflag:s8] =	dma.local @!p0 [hbm:s6], $0xF7A  }
0x23: {  	s9 =	sor.u32 $0xD0000000, s2;
	s6 =	simm.s32 $0x108;
	_ =	swait.ge @!p0 [sflag:s8], $0x0  }
0x24: {  	s3 =	sadd.s32 $0x88, s3;
	s6 =	simm.s32 @!p1 $0x1082;
	[sflag:s4] =	ssyncset.s32 $0xFFFFF086  }
0x25: {  	[simem:s6], [sflag:s4] =	dma.local [hbm:s3], $0xF7A  }
0x26: {  	[smem:$0x3F9F] =	sst s1;
	(tag) =	ssettag s2;
	_ =	strace s9  }
0x27: {  	s1 =	sld [smem:$0x3FAF]  }
0x28: {  	s2 =	sld [smem:$0x3FB0]  }
0x29: {  	s4 =	sld [smem:$0x3FB2]  }
0x2a: {  	p0 =	seq.s32 s5, $0x0;
	s5 =	sld [smem:$0x3FB3]  }
0x2b: {  	s6 =	sld [smem:$0x3FB4]  }
0x2c: {  	s7 =	sld [smem:$0x3FB5]  }
0x2d: {  	s3 =	simm.s32 $0x108;
	s8 =	sld [smem:$0x3FB6]  }
0x2e: {  	s3 =	simm.s32 @!p0 $0x1082;
	s9 =	sld [smem:$0x3FB7]  }
0x2f: {  	lr =	sadd.s32 s0, s3;
	s0 =	sld [smem:$0x3FAE]  }
0x30: {  	s3 =	sld [smem:$0x3FB1]  }
0x31: {  	[smem:$0x3FBA] =	sst s10  }
0x32: {  	s10 =	sld [smem:$0x3FB8];
	_ =	sdelay $0x3  }
0x33: {  	p0 =	seq.s32 s10, $0x1;
	s10 =	sld [smem:$0x3FBA];
	_ =	sdelay $0x3  }
0x34: {  	[smem:$0x3FBA] =	sst s10  }
0x35: {  	s10 =	sld [smem:$0x3FB9];
	_ =	sdelay $0x3  }
0x36: {  	p1 =	seq.s32 s10, $0x1;
	s10 =	sld [smem:$0x3FBA];
	_ =	sdelay $0x3  }
0x37: {  	[smem:$0x3FBA] =	sst s10  }
0x38: {  	s10 =	sld [smem:$0x3FBB]  }
0x39: {  	_ = 	snop;
	(pc) =	sbr.ind lr, $3  }
0x3a: {  	_ = 	snop  }
0x3b: {  	_ = 	snop  }
0x3c: {  	p2 =	seq.s32 s10, $0x1;
	s10 =	sld [smem:$0x3FBA]  }
0x3d: {  	_ =	shalt  }
0x3e: {  	_ =	shalt  }
0x3f: {  	_ =	shalt  }
0x40: {  	_ =	shalt  }
0x41: {  	_ =	shalt  }
0x42: {  	_ =	shalt  }
0x43: {  	_ =	shalt  }
0x44: {  	_ =	shalt  }
0x45: {  	_ =	shalt  }
0x46: {  	_ =	shalt  }
0x47: {  	_ =	shalt  }
0x48: {  	_ =	shalt  }
0x49: {  	_ =	shalt  }
0x4a: {  	_ =	shalt  }
0x4b: {  	_ =	shalt  }
0x4c: {  	_ =	shalt  }
0x4d: {  	_ =	shalt  }
0x4e: {  	_ =	shalt  }
0x4f: {  	_ =	shalt  }
0x50: {  	_ =	shalt  }
0x51: {  	_ =	shalt  }
0x52: {  	_ =	shalt  }
0x53: {  	_ =	shalt  }
0x54: {  	_ =	shalt  }
0x55: {  	_ =	shalt  }
0x56: {  	_ =	shalt  }
0x57: {  	_ =	shalt  }
0x58: {  	_ =	shalt  }
0x59: {  	_ =	shalt  }
0x5a: {  	_ =	shalt  }
0x5b: {  	_ =	shalt  }
0x5c: {  	_ =	shalt  }
0x5d: {  	_ =	shalt  }
0x5e: {  	_ =	shalt  }
0x5f: {  	_ =	shalt  }
0x60: {  	_ =	shalt  }
0x61: {  	_ =	shalt  }
0x62: {  	_ =	shalt  }
0x63: {  	_ =	shalt  }
0x64: {  	_ =	shalt  }
0x65: {  	_ =	shalt  }
0x66: {  	_ =	shalt  }
0x67: {  	_ =	shalt  }
0x68: {  	_ =	shalt  }
0x69: {  	_ =	shalt  }
0x6a: {  	_ =	shalt  }
0x6b: {  	_ =	shalt  }
0x6c: {  	_ =	shalt  }
0x6d: {  	_ =	shalt  }
0x6e: {  	_ =	shalt  }
0x6f: {  	_ =	shalt  }
0x70: {  	_ =	shalt  }
0x71: {  	_ =	shalt  }
0x72: {  	_ =	shalt  }
0x73: {  	_ =	shalt  }
0x74: {  	_ =	shalt  }
0x75: {  	_ =	shalt  }
0x76: {  	_ =	shalt  }
0x77: {  	_ =	shalt  }
0x78: {  	_ =	shalt  }
0x79: {  	_ =	shalt  }
0x7a: {  	_ =	shalt  }
0x7b: {  	_ =	shalt  }
0x7c: {  	_ =	shalt  }
0x7d: {  	_ =	shalt  }
0x7e: {  	_ =	shalt  }
0x7f: {  	_ =	shalt  }
0x80: {  	_ =	shalt  }
0x81: {  	_ =	shalt  }
0x82: {  	_ =	shalt  }
0x83: {  	_ =	shalt  }
0x84: {  	_ =	shalt  }
0x85: {  	_ =	shalt  }
0x86: {  	_ =	shalt  }
0x87: {  	_ =	shalt  }
.Lfunc_end0:
.L_simem_size_0:
called_computation_lowered:
.L_overlay_start_0:
0x88: {  	s2 =	sld [smem:$0x3FD9]  }
0x89: {  	s3 =	sld [smem:$0x3FFE];
	_ =	sdelay $0x1  }
0x8a: {  	s1 =	srdreg.scid  }
0x8b: {  	s0 =	sand.u32 $0x1, s1  }
0x8c: {  	s17 =	sshll.u32 s0, $0xA;
	s2 =	sadd.s32 s3, s2  }
0x8d: {  	s2 =	sadd.s32 s2, s17  }
0x8e: {  	[smem:$0x3FC6] =	sst s2  }
0x8f: {  	_ = 	snop  }
0x90: {  	s2 =	sld [smem:$0x3FC8]  }
0x91: {  	s18 =	sld [smem:$0x3FD0];
	(tm) =	ssettm $0x1  }
0x92: {  	s4 =	sld [smem:$0x3FFB];
	_ =	sdelay $0x3  }
0x93: {  	_ =	strace s4  }
0x94: {  	s4 =	sld [smem:$0x3FFC];
	_ =	sdelay $0x3  }
0x95: {  	_ =	strace s4  }
0x96: {  	s4 =	sld [smem:$0x3FFD];
	_ =	sdelay $0x3  }
0x97: {  	_ =	strace s4  }
0x98: {  	_ =	strace $0x8FFFFFFF  }
0x99: {  	s19 =	sld [smem:$0x3FDB];
	_ =	sdelay $0x1  }
0x9a: {  	s5 =	simm.s32 $_scs_section_size  }
0x9b: {  	s6 =	simm.s32 $_size__tile_overlayer_lowered;
	s7 =	simm.s32 $_tile_overlayer_lowered  }
0x9c: {  	s22 =	simm.s32 $0x1BFF;
	s21 =	sshll.u32 s7, $0x1;
	s4 =	sadd.s32 s5, s19  }
0x9d: {  	s8 =	simm.s32 $0x0;
	s20 =	sshll.u32 s6, $0x1;
	s6 =	sadd.s32 s21, s4  }
0x9e: {  	[timem:s8], [sflag:s22] =	dma.local [hbm:s6], s20  }
0x9f: {  	_ =	swait.ge [sflag:s22], s20  }
0xa0: {  	s5 =	ssub.s32 $0x0, s20;
	[sflag:s22] =	ssyncset.done $0x0  }
0xa1: {  	[sflag:s22] =	ssyncadd.s32 s5;
	_ =	sdelay $0x1  }
0xa2: {  	s23 =	simm.s32 $0x1B8B  }
0xa3: {  	_ =	swait.ge [sflag:s23], $0x1  }
0xa4: {  	[sflag:s23] =	ssyncset.done $0x0  }
0xa5: {  	s25 =	simm.s32 $0x1B8E;
	s24 =	sld [smem:$0x3FFE];
	[sflag:s23] =	ssyncadd.s32 $0xFFFFFFFF  }
0xa6: {  	s26 =	simm.s32 $execute0_lowered;
	[smem:$0x3FD2] =	sst s25  }
0xa7: {  	s6 =	sshll.u32 s26, $0x1;
	_ =	strace $0x80000046;
	[dreg:$0x1] =	wrdreg $0xFFFFFFFF  }
0xa8: {  	s28 =	simm.s32 $_size_execute0_lowered;
	s4 =	sadd.s32 s4, s6;
	[dreg:$0x0] =	wrdreg $0x0  }
0xa9: {  	s6 =	sshll.u32 s28, $0x1;
	[dreg:$0x2] =	wrdreg s4  }
0xaa: {  	[dreg:$0x3] =	wrdreg s6  }
0xab: {  	[dreg:$0x4] =	wrdreg $0xC0  }
0xac: {  	_ =	task [dreg:s8], $0x5FFFF  }
0xad: {  	[dreg:$0x1] =	wrdreg $0xFFFFFFFF  }
0xae: {  	[dreg:$0x0] =	wrdreg $0x60  }
0xaf: {  	[dreg:$0x2] =	wrdreg s18  }
0xb0: {  	[dreg:$0x3] =	wrdreg s2  }
0xb1: {  	[dreg:$0x4] =	wrdreg s24  }
0xb2: {  	[dreg:$0x5] =	wrdreg $0x9  }
0xb3: {  	_ =	task.clear_ibuf [dreg:s8], $0x6FFFF;
	_ =	strace $0x90000046  }
0xb4: {  	s29 =	simm.s32 $0x9;
	_ =	strace $0x80000048  }
0xb5: {  	_ =	swait.ge [sflag:s29], $0x1  }
0xb6: {  	[sflag:s29] =	ssyncadd.s32 $0xFFFFFFFF  }
0xb7: {  	_ =	strace $0x90000048  }
0xb8: {  	_ =	sfence  }
0xb9: {  	s30 =	sld [smem:$0x0];
	_ =	sdelay $0x2  }
0xba: {  	s31 =	sshll.u32 s1, $0xD;
	s1 =	sshrl.u32 s1, $0x2  }
0xbb: {  	s3 =	sand.u32 $0x4000, s31;
	s1 =	sadd.s32 s1, s30  }
0xbc: {  	s0 =	sor.u32 s3, s0;
	s1 =	sshll.u32 s1, $0x11  }
0xbd: {  	s0 =	sor.u32 s1, s0  }
0xbe: {  	s0 =	sadd.s32 $0x8F2B, s0  }
0xbf: {  	[sflag:s0] =	ssyncadd.remote.s32 $0x1  }
0xc0: {  	_ =	sfence.sel $0xFFFF  }
0xc1: {  	[dreg:$0x0] =	wrdreg $0xFFFFFFFF;
	(pc) =	sbr.abs _section_cstart, $3  }
0xc2: {  	[dreg:$0x1] =	wrdreg $0xFFFFFFFF  }
0xc3: {  	_ =	task.clear_ibuf [dreg:s8], $0x2FFFF;
	_ =	strace $0x9FFFFFFF  }
0xc4: {  	(tm) =	ssettm $0x7FFFFFFF  }
0xc5: {  	_ =	shalt  }
tec
execute0_lowered:
.L_overlay_start_1:
0x0: {  	(tag) =	ssettag $0x1  }
0x1: {  	s0 =	rddreg [dreg:$0x0]  }
0x2: {  	s2 =	rddreg [dreg:$0x1]  }
0x3: {  	s1 =	rddreg [dreg:$0x2]  }
0x4: {  	s4 =	srdreg.scid;
	s11 =	stileid.u32  }
0x5: {  	s3 =	simm.s32 $0x0;
	s12 =	simm.s32 $0x32;
	s13 =	simm.s32 $0x10000  }
0x6: {  	s15 =	simm.s32 $0x11C00;
	s17 =	simm.s32 $0x13800;
	s19 =	simm.s32 $0x15400  }
0x7: {  	s20 =	simm.s32 $0x1;
	s23 =	simm.s32 $0x17000;
	s25 =	simm.s32 $0x18C00  }
0x8: {  	s29 =	simm.s32 $0x1A800;
	s31 =	simm.s32 $0x1C400;
	s14 =	simm.s32 $0x4  }
0x9: {  	s16 =	simm.s32 $0x6;
	s18 =	simm.s32 $0x7;
	s22 =	simm.s32 $0x8  }
0xa: {  	s24 =	simm.s32 $0x0;
	s4 =	sand.u32 $0x1, s4;
	s5 =	sshll.u32 s11, $0x1  }
0xb: {  	[smem:$0x7FF] =	sst s3;
	s26 =	smul.u32 $0xE0000, s11;
	s5 =	sor.u32 s4, s5  }
0xc: {  	s1 =	sadd.s32 $0x400, s1;
	s11 =	simm.s32 $0x9;
	s7 =	smul.u32 $0x70000, s5  }
0xd: {  	s6 =	ssub.s32 $0x2, s4;
	s9 =	smul.u32 $0x380000, s5;
	s5 =	sshll.u32 s5, $0xD  }
0xe: {  	_ =	strace $0x80000047;
	s8 =	sshrl.u32 s6, $0x1;
	s0 =	sadd.s32 s0, s5  }
0xf: {  	s4 =	smul.u32 $0x70000, s4;
	s10 =	ssub.s32 s6, s8;
	[dreg:$0x4] =	wrdreg s0  }
0x10: {  	s28 =	sshrl.u32 s9, $0x3;
	s5 =	sadd.s32 s1, s7;
	s30 =	smax.u32 s10, $0x1  }
0x11: {  	s0 =	sadd.s32 s1, s28;
	s1 =	sadd.s32 s26, s1;
	s6 =	sadd.s32 $0x700, s5  }
0x12: {  	[dreg:$0x5] =	wrdreg s30;
	s21 =	sadd.s32 $0x380, s5;
	s26 =	simm.s32 $0x2  }
0x13: {  	s7 =	sadd.s32 $0x6F200, s0;
	s1 =	sadd.s32 s4, s1;
	s8 =	sadd.s32 $0x6F900, s0  }
0x14: {  	s0 =	simm.s32 $0x3;
	s10 =	sadd.s32 $0x1500, s1;
	s1 =	simm.s32 $0x5  }
.LBB2_1:
0x15: {  	s4 =	rddreg [dreg:$0x4]  }
0x16: {  	[tilespmem:s3], [sflag:$0x9] =	stream.linear.gather [hbm4b:s4+s3], $0x10000, $0x38;
	[tilespmem:$0x1E000] =	vst v63  }
0x17: {  	_ =	swait.ge [sflag:s11], $0x10000  }
0x18: {  	[sflag:s11] =	ssyncset.done $0x0  }
0x19: {  	[sflag:s11] =	ssyncadd.s32 $0xFFFF0000  }
0x1a: {  	[tilespmem:s13], [sflag:$0x1] =	stream.indirect.gather [hbm4b:s2+s12], $0x80, s3, s12, $0xb8;
	[tilespmem:$0x1E000] =	vst v63  }
0x1b: {  	s9 =	simm.s32 $0x80  }
0x1c: {  	[tilespmem:s15], [sflag:$0x1] =	stream.indirect.gather [hbm4b:s2+s12], $0x80, s9, s12, $0xb8;
	[tilespmem:$0x1E000] =	vst v63  }
0x1d: {  	s9 =	simm.s32 $0x100  }
0x1e: {  	[tilespmem:s17], [sflag:$0x2] =	stream.indirect.gather [hbm4b:s2+s12], $0x80, s9, s12, $0xb8;
	[tilespmem:$0x1E000] =	vst v63  }
0x1f: {  	s9 =	simm.s32 $0x180  }
0x20: {  	[tilespmem:s19], [sflag:$0x2] =	stream.indirect.gather [hbm4b:s2+s12], $0x80, s9, s12, $0xb8;
	[tilespmem:$0x1E000] =	vst v63  }
0x21: {  	_ =	swait.ge [sflag:s20], $0x3200  }
0x22: {  	[sflag:s20] =	ssyncset.done $0x0  }
0x23: {  	[sflag:s20] =	ssyncadd.s32 $0xFFFFCE00  }
0x24: {  	[hbm4b:s5+s3] =	stream.linear.scatter [tilespmem:s13], [sflag:$0x5], $0x1900, $0x38;
	[tilespmem:$0x1E000] =	vst v63  }
0x25: {  	_ = 	snop  }
0x26: {  	[hbm4b:s21+s3] =	stream.linear.scatter [tilespmem:s15], [sflag:$0x5], $0x1900, $0x38;
	[tilespmem:$0x1E000] =	vst v63  }
0x27: {  	s9 =	simm.s32 $0x200  }
0x28: {  	[tilespmem:s23], [sflag:$0x3] =	stream.indirect.gather [hbm4b:s2+s12], $0x80, s9, s12, $0xb8;
	[tilespmem:$0x1E000] =	vst v63  }
0x29: {  	s9 =	simm.s32 $0x280  }
0x2a: {  	[tilespmem:s25], [sflag:$0x3] =	stream.indirect.gather [hbm4b:s2+s12], $0x80, s9, s12, $0xb8;
	[tilespmem:$0x1E000] =	vst v63  }
0x2b: {  	_ =	swait.ge [sflag:s26], $0x3200  }
0x2c: {  	[sflag:s26] =	ssyncset.done $0x0  }
0x2d: {  	[sflag:s26] =	ssyncadd.s32 $0xFFFFCE00  }
0x2e: {  	[hbm4b:s6+s3] =	stream.linear.scatter [tilespmem:s17], [sflag:$0x6], $0x1900, $0x38;
	[tilespmem:$0x1E000] =	vst v63  }
0x2f: {  	s9 =	sadd.s32 $0x380, s6  }
0x30: {  	[hbm4b:s9+s3] =	stream.linear.scatter [tilespmem:s19], [sflag:$0x6], $0x1900, $0x38;
	[tilespmem:$0x1E000] =	vst v63  }
0x31: {  	s9 =	simm.s32 $0x300  }
0x32: {  	[tilespmem:s29], [sflag:$0x4] =	stream.indirect.gather [hbm4b:s2+s12], $0x80, s9, s12, $0xb8;
	[tilespmem:$0x1E000] =	vst v63  }
0x33: {  	s9 =	simm.s32 $0x380  }
0x34: {  	[tilespmem:s31], [sflag:$0x4] =	stream.indirect.gather [hbm4b:s2+s12], $0x80, s9, s12, $0xb8;
	[tilespmem:$0x1E000] =	vst v63  }
0x35: {  	_ =	swait.ge [sflag:s0], $0x3200  }
0x36: {  	[sflag:s0] =	ssyncset.done $0x0  }
0x37: {  	s9 =	sadd.s32 $0xFFFFF900, s10;
	[sflag:s0] =	ssyncadd.s32 $0xFFFFCE00  }
0x38: {  	[hbm4b:s9+s3] =	stream.linear.scatter [tilespmem:s23], [sflag:$0x7], $0x1900, $0x38;
	[tilespmem:$0x1E000] =	vst v63  }
0x39: {  	s9 =	sadd.s32 $0xFFFFFC80, s10  }
0x3a: {  	[hbm4b:s9+s3] =	stream.linear.scatter [tilespmem:s25], [sflag:$0x7], $0x1900, $0x38;
	[tilespmem:$0x1E000] =	vst v63  }
0x3b: {  	_ =	swait.ge [sflag:s1], $0x3200  }
0x3c: {  	[sflag:s1] =	ssyncset.done $0x0  }
0x3d: {  	s9 =	simm.s32 $0x400;
	[sflag:s1] =	ssyncadd.s32 $0xFFFFCE00  }
0x3e: {  	[tilespmem:s13], [sflag:$0x1] =	stream.indirect.gather [hbm4b:s2+s12], $0x80, s9, s12, $0xb8;
	[tilespmem:$0x1E000] =	vst v63  }
0x3f: {  	s9 =	simm.s32 $0x480  }
0x40: {  	[tilespmem:s15], [sflag:$0x1] =	stream.indirect.gather [hbm4b:s2+s12], $0x80, s9, s12, $0xb8;
	[tilespmem:$0x1E000] =	vst v63  }
0x41: {  	_ =	swait.ge [sflag:s14], $0x3200  }
0x42: {  	[sflag:s14] =	ssyncset.done $0x0  }
0x43: {  	[sflag:s14] =	ssyncadd.s32 $0xFFFFCE00  }
0x44: {  	[hbm4b:s10+s3] =	stream.linear.scatter [tilespmem:s29], [sflag:$0x8], $0x1900, $0x38;
	[tilespmem:$0x1E000] =	vst v63  }
0x45: {  	s9 =	sadd.s32 $0x380, s10  }
0x46: {  	[hbm4b:s9+s3] =	stream.linear.scatter [tilespmem:s31], [sflag:$0x8], $0x1900, $0x38;
	[tilespmem:$0x1E000] =	vst v63  }
0x47: {  	_ =	swait.ge [sflag:s16], $0x3200  }
0x48: {  	[sflag:s16] =	ssyncset.done $0x0  }
0x49: {  	s9 =	simm.s32 $0x500;
	[sflag:s16] =	ssyncadd.s32 $0xFFFFCE00  }
0x4a: {  	[tilespmem:s17], [sflag:$0x2] =	stream.indirect.gather [hbm4b:s2+s12], $0x80, s9, s12, $0xb8;
	[tilespmem:$0x1E000] =	vst v63  }
0x4b: {  	s9 =	simm.s32 $0x580  }
0x4c: {  	[tilespmem:s19], [sflag:$0x2] =	stream.indirect.gather [hbm4b:s2+s12], $0x80, s9, s12, $0xb8;
	[tilespmem:$0x1E000] =	vst v63  }
0x4d: {  	_ =	swait.ge [sflag:s20], $0x3200  }
0x4e: {  	[sflag:s20] =	ssyncset.done $0x0  }
0x4f: {  	s9 =	sadd.s32 $0x700, s10;
	[sflag:s20] =	ssyncadd.s32 $0xFFFFCE00  }
0x50: {  	[hbm4b:s9+s3] =	stream.linear.scatter [tilespmem:s13], [sflag:$0x5], $0x1900, $0x38;
	[tilespmem:$0x1E000] =	vst v63  }
0x51: {  	s9 =	sadd.s32 $0xA80, s10  }
0x52: {  	[hbm4b:s9+s3] =	stream.linear.scatter [tilespmem:s15], [sflag:$0x5], $0x1900, $0x38;
	[tilespmem:$0x1E000] =	vst v63  }
0x53: {  	_ =	swait.ge [sflag:s18], $0x3200  }
0x54: {  	[sflag:s18] =	ssyncset.done $0x0  }
0x55: {  	s9 =	simm.s32 $0x600;
	[sflag:s18] =	ssyncadd.s32 $0xFFFFCE00  }
0x56: {  	[tilespmem:s23], [sflag:$0x3] =	stream.indirect.gather [hbm4b:s2+s12], $0x80, s9, s12, $0xb8;
	[tilespmem:$0x1E000] =	vst v63  }
0x57: {  	s9 =	simm.s32 $0x680  }
0x58: {  	[tilespmem:s25], [sflag:$0x3] =	stream.indirect.gather [hbm4b:s2+s12], $0x80, s9, s12, $0xb8;
	[tilespmem:$0x1E000] =	vst v63  }
0x59: {  	_ =	swait.ge [sflag:s26], $0x3200  }
0x5a: {  	[sflag:s26] =	ssyncset.done $0x0  }
0x5b: {  	s9 =	sadd.s32 $0xE00, s10;
	[sflag:s26] =	ssyncadd.s32 $0xFFFFCE00  }
0x5c: {  	[hbm4b:s9+s3] =	stream.linear.scatter [tilespmem:s17], [sflag:$0x6], $0x1900, $0x38;
	[tilespmem:$0x1E000] =	vst v63  }
0x5d: {  	s9 =	sadd.s32 $0x1180, s10  }
0x5e: {  	[hbm4b:s9+s3] =	stream.linear.scatter [tilespmem:s19], [sflag:$0x6], $0x1900, $0x38;
	[tilespmem:$0x1E000] =	vst v63  }
0x5f: {  	_ =	swait.ge [sflag:s22], $0x3200  }
0x60: {  	s28 =	simm.s32 $0x1000;
	s30 =	sadd.s32 $0x1C00, s10;
	[sflag:s22] =	ssyncset.done $0x0  }
0x61: {  	s4 =	simm.s32 $0x780;
	s9 =	simm.s32 $0x700;
	[sflag:s22] =	ssyncadd.s32 $0xFFFFCE00  }
0x62: {  	[tilespmem:s29], [sflag:$0x4] =	stream.indirect.gather [hbm4b:s2+s12], $0x80, s9, s12, $0xb8;
	[tilespmem:$0x1E000] =	vst v63  }
.LBB2_2:
0x63: {  	[tilespmem:s31], [sflag:$0x4] =	stream.indirect.gather [hbm4b:s2+s12], $0x80, s4, s12, $0xb8;
	[tilespmem:$0x1E000] =	vst v63  }
0x64: {  	s4 =	smov.u32 s28  }
0x65: {  	p0 =	sne.s32 s28, $0x3E000;
	s28 =	sadd.s32 $0x1000, s28;
	_ =	swait.ge [sflag:s0], $0x3200  }
0x66: {  	[sflag:s0] =	ssyncset.done $0x0  }
0x67: {  	s9 =	sadd.s32 $0xFFFFF900, s30;
	[sflag:s0] =	ssyncadd.s32 $0xFFFFCE00  }
0x68: {  	[hbm4b:s9+s3] =	stream.linear.scatter [tilespmem:s23], [sflag:$0x7], $0x1900, $0x38;
	[tilespmem:$0x1E000] =	vst v63  }
0x69: {  	s9 =	sadd.s32 $0xFFFFFC80, s30  }
0x6a: {  	[hbm4b:s9+s3] =	stream.linear.scatter [tilespmem:s25], [sflag:$0x7], $0x1900, $0x38;
	[tilespmem:$0x1E000] =	vst v63  }
0x6b: {  	_ =	swait.ge [sflag:s1], $0x3200  }
0x6c: {  	s4 =	sshra.s32 s4, $0x2;
	[sflag:s1] =	ssyncset.done $0x0  }
0x6d: {  	s9 =	sadd.s32 $0x400, s4;
	[sflag:s1] =	ssyncadd.s32 $0xFFFFCE00  }
0x6e: {  	[tilespmem:s13], [sflag:$0x1] =	stream.indirect.gather [hbm4b:s2+s12], $0x80, s9, s12, $0xb8;
	[tilespmem:$0x1E000] =	vst v63  }
0x6f: {  	s9 =	sadd.s32 $0x480, s4  }
0x70: {  	[tilespmem:s15], [sflag:$0x1] =	stream.indirect.gather [hbm4b:s2+s12], $0x80, s9, s12, $0xb8;
	[tilespmem:$0x1E000] =	vst v63  }
0x71: {  	_ =	swait.ge [sflag:s14], $0x3200  }
0x72: {  	[sflag:s14] =	ssyncset.done $0x0  }
0x73: {  	[sflag:s14] =	ssyncadd.s32 $0xFFFFCE00  }
0x74: {  	[hbm4b:s30+s3] =	stream.linear.scatter [tilespmem:s29], [sflag:$0x8], $0x1900, $0x38;
	[tilespmem:$0x1E000] =	vst v63  }
0x75: {  	s9 =	sadd.s32 $0x380, s30  }
0x76: {  	[hbm4b:s9+s3] =	stream.linear.scatter [tilespmem:s31], [sflag:$0x8], $0x1900, $0x38;
	[tilespmem:$0x1E000] =	vst v63  }
0x77: {  	_ =	swait.ge [sflag:s16], $0x3200  }
0x78: {  	[sflag:s16] =	ssyncset.done $0x0  }
0x79: {  	s9 =	sadd.s32 $0x500, s4;
	[sflag:s16] =	ssyncadd.s32 $0xFFFFCE00  }
0x7a: {  	[tilespmem:s17], [sflag:$0x2] =	stream.indirect.gather [hbm4b:s2+s12], $0x80, s9, s12, $0xb8;
	[tilespmem:$0x1E000] =	vst v63  }
0x7b: {  	s9 =	sadd.s32 $0x580, s4  }
0x7c: {  	[tilespmem:s19], [sflag:$0x2] =	stream.indirect.gather [hbm4b:s2+s12], $0x80, s9, s12, $0xb8;
	[tilespmem:$0x1E000] =	vst v63  }
0x7d: {  	_ =	swait.ge [sflag:s20], $0x3200  }
0x7e: {  	[sflag:s20] =	ssyncset.done $0x0  }
0x7f: {  	s9 =	sadd.s32 $0x700, s30;
	[sflag:s20] =	ssyncadd.s32 $0xFFFFCE00  }
0x80: {  	[hbm4b:s9+s3] =	stream.linear.scatter [tilespmem:s13], [sflag:$0x5], $0x1900, $0x38;
	[tilespmem:$0x1E000] =	vst v63  }
0x81: {  	s9 =	sadd.s32 $0xA80, s30  }
0x82: {  	[hbm4b:s9+s3] =	stream.linear.scatter [tilespmem:s15], [sflag:$0x5], $0x1900, $0x38;
	[tilespmem:$0x1E000] =	vst v63  }
0x83: {  	_ =	swait.ge [sflag:s18], $0x3200  }
0x84: {  	[sflag:s18] =	ssyncset.done $0x0  }
0x85: {  	s9 =	sadd.s32 $0x600, s4;
	[sflag:s18] =	ssyncadd.s32 $0xFFFFCE00  }
0x86: {  	[tilespmem:s23], [sflag:$0x3] =	stream.indirect.gather [hbm4b:s2+s12], $0x80, s9, s12, $0xb8;
	[tilespmem:$0x1E000] =	vst v63  }
0x87: {  	s9 =	sadd.s32 $0x680, s4  }
0x88: {  	[tilespmem:s25], [sflag:$0x3] =	stream.indirect.gather [hbm4b:s2+s12], $0x80, s9, s12, $0xb8;
	[tilespmem:$0x1E000] =	vst v63  }
0x89: {  	_ =	swait.ge [sflag:s26], $0x3200  }
0x8a: {  	[sflag:s26] =	ssyncset.done $0x0  }
0x8b: {  	s9 =	sadd.s32 $0xE00, s30;
	[sflag:s26] =	ssyncadd.s32 $0xFFFFCE00  }
0x8c: {  	[hbm4b:s9+s3] =	stream.linear.scatter [tilespmem:s17], [sflag:$0x6], $0x1900, $0x38;
	[tilespmem:$0x1E000] =	vst v63  }
0x8d: {  	s9 =	sadd.s32 $0x1180, s30  }
0x8e: {  	[hbm4b:s9+s3] =	stream.linear.scatter [tilespmem:s19], [sflag:$0x6], $0x1900, $0x38;
	[tilespmem:$0x1E000] =	vst v63  }
.Ltmp0:
0x8f: {  	_ =	swait.ge [sflag:s22], $0x3200;
	(pc) =	sbr.rel @p0 .LBB2_2-.Ltmp0, $4  }
0x90: {  	[sflag:s22] =	ssyncset.done $0x0  }
0x91: {  	s9 =	sadd.s32 $0x700, s4;
	[sflag:s22] =	ssyncadd.s32 $0xFFFFCE00  }
0x92: {  	[tilespmem:s29], [sflag:$0x4] =	stream.indirect.gather [hbm4b:s2+s12], $0x80, s9, s12, $0xb8;
	[tilespmem:$0x1E000] =	vst v63  }
0x93: {  	s30 =	sadd.s32 $0x1C00, s30;
	s4 =	sadd.s32 $0x780, s4  }
0x94: {  	[tilespmem:s31], [sflag:$0x4] =	stream.indirect.gather [hbm4b:s2+s12], $0x80, s4, s12, $0xb8;
	[tilespmem:$0x1E000] =	vst v63  }
0x95: {  	_ =	swait.ge [sflag:s0], $0x3200  }
0x96: {  	[sflag:s0] =	ssyncset.done $0x0  }
0x97: {  	[sflag:s0] =	ssyncadd.s32 $0xFFFFCE00  }
0x98: {  	[hbm4b:s7+s3] =	stream.linear.scatter [tilespmem:s23], [sflag:$0x7], $0x1900, $0x38;
	[tilespmem:$0x1E000] =	vst v63  }
0x99: {  	s9 =	sadd.s32 $0x380, s7  }
0x9a: {  	[hbm4b:s9+s3] =	stream.linear.scatter [tilespmem:s25], [sflag:$0x7], $0x1900, $0x38;
	[tilespmem:$0x1E000] =	vst v63  }
0x9b: {  	_ =	swait.ge [sflag:s14], $0x3200  }
0x9c: {  	[sflag:s14] =	ssyncset.done $0x0  }
0x9d: {  	[sflag:s14] =	ssyncadd.s32 $0xFFFFCE00  }
0x9e: {  	[hbm4b:s8+s3] =	stream.linear.scatter [tilespmem:s29], [sflag:$0x8], $0x1900, $0x38;
	[tilespmem:$0x1E000] =	vst v63  }
0x9f: {  	s28 =	sadd.s32 $0x380, s8  }
0xa0: {  	[hbm4b:s28+s3] =	stream.linear.scatter [tilespmem:s31], [sflag:$0x8], $0x1900, $0x38;
	[tilespmem:$0x1E000] =	vst v63  }
0xa1: {  	_ =	swait.ge [sflag:s1], $0x3200  }
0xa2: {  	[sflag:s1] =	ssyncset.done $0x0  }
0xa3: {  	[sflag:s1] =	ssyncadd.s32 $0xFFFFCE00  }
0xa4: {  	_ =	swait.ge [sflag:s16], $0x3200  }
0xa5: {  	[sflag:s16] =	ssyncset.done $0x0  }
0xa6: {  	[sflag:s16] =	ssyncadd.s32 $0xFFFFCE00  }
0xa7: {  	_ =	swait.ge [sflag:s18], $0x3200  }
0xa8: {  	[sflag:s18] =	ssyncset.done $0x0  }
0xa9: {  	[sflag:s18] =	ssyncadd.s32 $0xFFFFCE00  }
0xaa: {  	_ =	swait.ge [sflag:s22], $0x3200  }
0xab: {  	s24 =	sadd.s32 $0x1, s24;
	s30 =	rddreg [dreg:$0x5]  }
0xac: {  	p0 =	sne.s32 s24, s30  }
.Ltmp1:
0xad: {  	_ = 	snop;
	(pc) =	sbr.rel @p0 .LBB2_1-.Ltmp1, $3  }
0xae: {  	_ =	sdelay $0x1  }
0xaf: {  	[sflag:s22] =	ssyncset.done $0x0  }
0xb0: {  	[sflag:s22] =	ssyncadd.s32 $0xFFFFCE00  }
0xb1: {  	_ =	sfence.sel $0x180000  }
0xb2: {  	[bflag:$0x0] =	sbarrier.arrive $0xFFFF  }
0xb3: {  	_ =	strace $0x90000047  }
0xb4: {  	s0 =	stileid.u32;
	[bflag:$0x2] =	sbarrier.arrive $0xFFFF  }
0xb5: {  	p0 =	sne.s32 s0, $0x0;
	s0 =	rddreg [dreg:$0x3]  }
0xb6: {  	s0 =	sadd.s32 @!p0 $0x100000, s0  }
0xb7: {  	[sflag:s0] =	ssyncadd.tile.s32 @!p0 $0x1;
	_ =	shalt  }
.Lfunc_end2:
_tile_overlayer_lowered:
.L_overlay_start_2:
0xb8: {  	(tag) =	ssettag $0x2  }
0xb9: {  	s0 =	rddreg [dreg:$0x0];
	s2 =	stileid.u32  }
0xba: {  	s1 =	rddreg [dreg:$0x1];
	p0 =	sne.s32 s2, $0x0  }
0xbb: {  	s3 =	rddreg [dreg:$0x2];
	[bflag:$0x3] =	sbarrier.arrive $0xFFFF;
	s2 =	simm.s32 @!p0 $0x1C09  }
0xbc: {  	[timem:s3], [sflag:s2] =	dma.local @!p0 [hbm:s0], s1  }
0xbd: {  	s0 =	simm.s32 @!p0 $0x9  }
0xbe: {  	_ =	swait.ge @!p0 [sflag:s0], s1  }
0xbf: {  	s1 =	ssub.s32 @!p0 $0x0, s1;
	[sflag:s0] =	ssyncset.done @!p0 $0x0  }
0xc0: {  	[sflag:s0] =	ssyncadd.s32 @!p0 s1  }
0xc1: {  	[bflag:$0x3] =	sbarrier.arrive $0xFFFF  }
0xc2: {  	_ =	shalt  }

</sc_bundles>
